<compile_context>
chip_gen: v7x
topology: tpu7x:2x2x1
jax: 0.10.2.dev20260603
libtpu: 0.0.44.dev20260713+nightly
codegen_flags: <defaults>
</compile_context>

<pallas_src>
import math

import jax
import jax.numpy as jnp
from jax import lax
from jax.experimental import pallas as pl
from jax.experimental.pallas import tpu as pltpu
from jax.experimental.pallas import tpu_sc as plsc

VOCAB = 1000000
D = 64
L = 16
NC, NS = 2, 16
NW = NC * NS
BATCH = 4096
HIST = 200
B = BATCH * HIST
PER_W = B // NW
CHUNK = 512
NCHUNK = PER_W // CHUNK

MAX_NORM = (1.0 - 0.001) / math.sqrt(1.0)
INV_MAX_NORM = 1.0 / MAX_NORM


def _rsqrt_nr(s):
    i = lax.bitcast_convert_type(s, jnp.int32)
    i = jnp.int32(0x5F3759DF) - lax.shift_right_arithmetic(i, 1)
    y = lax.bitcast_convert_type(i, jnp.float32)
    y = y * (1.5 - 0.5 * (s * y) * y)
    y = y * (1.5 - 0.5 * (s * y) * y)
    return y


def _recip_nr(d):
    i = lax.bitcast_convert_type(d, jnp.int32)
    z = lax.bitcast_convert_type(jnp.int32(0x7EF127EA) - i, jnp.float32)
    z = z * (2.0 - d * z)
    z = z * (2.0 - d * z)
    return z


def _body(
    ids_hbm, weight_hbm, out_hbm,
    idx0, idx1, rows0, rows1, fac_v, rsem, osem,
):
    wid = lax.axis_index("s") * NC + lax.axis_index("c")
    w_base = wid * PER_W
    idxs = (idx0, idx1)
    rows = (rows0, rows1)

    def compute(rows_v):
        def ss_body(r, _):
            ss = jnp.zeros((L,), jnp.float32)
            for k in range(D // L):
                v = rows_v[r, pl.ds(k * L, L)]
                ss = ss + v * v
            s = jnp.sum(ss)
            rs = _rsqrt_nr(s)
            norm = s * rs
            scale = jnp.minimum(norm * INV_MAX_NORM, 1.0)
            fac_v[r] = _recip_nr(scale + 1e-8)
            return 0

        lax.fori_loop(0, CHUNK, ss_body, 0, unroll=4)

        def row_body(r, _):
            f = fac_v[r]
            for k in range(D // L):
                rows_v[r, pl.ds(k * L, L)] = rows_v[r, pl.ds(k * L, L)] * f
            return 0

        lax.fori_loop(0, CHUNK, row_body, 0, unroll=4)

    pltpu.sync_copy(ids_hbm.at[pl.ds(w_base, CHUNK)], idx0)
    pltpu.async_copy(weight_hbm.at[idx0], rows0, rsem)

    def pair_body(cp, _):
        for b in range(2):
            c = 2 * cp + b
            base = w_base + c * CHUNK
            rb, ib = rows[b], idxs[b]
            nrb, nib = rows[1 - b], idxs[1 - b]

            @pl.when(c >= 1)
            def _():
                pltpu.make_async_copy(
                    nrb, out_hbm.at[pl.ds(base - CHUNK, CHUNK)], osem
                ).wait()

            @pl.when(c < NCHUNK - 1)
            def _():
                pltpu.sync_copy(
                    ids_hbm.at[pl.ds(base + CHUNK, CHUNK)], nib
                )
                pltpu.async_copy(weight_hbm.at[nib], nrb, rsem)

            pltpu.make_async_copy(weight_hbm.at[ib], rb, rsem).wait()
            compute(rb)
            pltpu.async_copy(rb, out_hbm.at[pl.ds(base, CHUNK)], osem)
        return 0

    lax.fori_loop(0, NCHUNK // 2, pair_body, 0)
    pltpu.make_async_copy(
        rows1, out_hbm.at[pl.ds(w_base + (NCHUNK - 1) * CHUNK, CHUNK)], osem
    ).wait()


@jax.jit
def _run(ids_flat, weight):
    mesh = plsc.VectorSubcoreMesh(core_axis_name="c", subcore_axis_name="s")
    return pl.kernel(
        _body,
        out_type=jax.ShapeDtypeStruct((B, D), jnp.float32),
        mesh=mesh,
        compiler_params=pltpu.CompilerParams(
            needs_layout_passes=False, use_tc_tiling_on_sc=False
        ),
        scratch_types=[
            pltpu.VMEM((CHUNK,), jnp.int32),
            pltpu.VMEM((CHUNK,), jnp.int32),
            pltpu.VMEM((CHUNK, D), jnp.float32),
            pltpu.VMEM((CHUNK, D), jnp.float32),
            pltpu.SMEM((CHUNK,), jnp.float32),
            pltpu.SemaphoreType.DMA,
            pltpu.SemaphoreType.DMA,
        ],
    )(ids_flat, weight)


def kernel(input_ids, weight):
    ids_flat = input_ids.reshape(B)
    out = _run(ids_flat, weight)
    return out.reshape(BATCH, HIST, D)

# --- scband reference (transcript-rebuilt; emitter-appended) ---
"""Pipeline reference for scband-hyperbolic-embedding-46291157516379 (READ-ONLY COPY).

The authoritative reference and input builder live on the scoring server;
editing this copy changes nothing except your own understanding.
"""

import math
import jax, jax.numpy as jnp
import numpy as np

VOCAB = 1000000
D_MODEL = 64
CURVATURE = 1.0
BATCH = 4096
HIST = 200


def setup_inputs(seed: int = 0) -> dict:
    key = jax.random.key(seed)
    k1, k2 = jax.random.split(key)
    # nn.Embedding weight initialized with normal(0, 0.01)
    weight = jax.random.normal(k1, (VOCAB, D_MODEL), dtype=jnp.float32) * 0.01
    input_ids = jax.random.randint(k2, (BATCH, HIST), 0, VOCAB, dtype=jnp.int32)
    return {"input_ids": input_ids, "weight": weight}


def reference(input_ids, weight):
    # embedding gather
    x = jnp.take(weight, input_ids, axis=0)
    # hyperbolic norm clipping (Poincare ball projection, faithful to torch code)
    norm = jnp.linalg.norm(x, axis=-1, keepdims=True)
    max_norm = (1.0 - 0.001) / math.sqrt(CURVATURE)
    scale = jnp.minimum(norm / max_norm, 1.0)  # torch.clamp(..., max=1.0)
    return x / (scale + 1e-08)

if __name__ == "__main__":
    import jax
    _d = setup_inputs()
    print(jax.jit(kernel)(*tuple(_d.values())))

</pallas_src>

<mosaic_0001>
#map = affine_map<(d0, d1) -> (0)>
#map1 = affine_map<(d0, d1) -> (0, 0)>
module attributes {stable_mosaic.version = 14 : i64} {
  func.func @_body(%arg0: i32, %arg1: i32, %arg2: memref<819200xi32, #tpu.memory_space<hbm>>, %arg3: memref<1000000x64xf32, #tpu.memory_space<hbm>>, %arg4: memref<819200x64xf32, #tpu.memory_space<hbm>>, %arg5: memref<512xi32, #tpu.memory_space<vmem>>, %arg6: memref<512xi32, #tpu.memory_space<vmem>>, %arg7: memref<512x64xf32, #tpu.memory_space<vmem>>, %arg8: memref<512x64xf32, #tpu.memory_space<vmem>>, %arg9: memref<512xf32, #tpu.memory_space<smem>>, %arg10: memref<!tpu.dma_semaphore, #tpu.memory_space<semaphore_mem>>, %arg11: memref<!tpu.dma_semaphore, #tpu.memory_space<semaphore_mem>>) attributes {dimension_semantics = [#tpu.dimension_semantics<core_parallel>, #tpu.dimension_semantics<subcore_parallel>], iteration_bounds = array<i64: 2, 16>, scalar_prefetch = 0 : i64, scratch_operands = 7 : i64, tpu.core_type = #tpu.core_type<sc_vector_subcore>, window_params = [{transform_indices = #map}, {transform_indices = #map1}, {transform_indices = #map1}]} {
    %mul3A = arith.constant 2 : i32
    %mul3A_0 = arith.muli %arg1, %mul3A : i32
    %add3A = arith.addi %mul3A_0, %arg0 : i32
    %mul3A_1 = arith.constant 25600 : i32
    %mul3A_2 = arith.muli %add3A, %mul3A_1 : i32
    "tpu.region"() ({
      %run_scoped3A = tpu.sem_alloc : memref<!tpu.dma_semaphore, #tpu.memory_space<semaphore_mem>>
      %dma_start3A_16 = tpu.memref_slice %arg2[%mul3A_2] : memref<819200xi32, #tpu.memory_space<hbm>> -> memref<512xi32, #tpu.memory_space<hbm>>
      %dma_start3A_17 = tpu.memref_slice %arg2[%mul3A_2] : memref<819200xi32, #tpu.memory_space<hbm>> -> memref<512xi32, #tpu.memory_space<hbm>>
      tpu.enqueue_dma source(%dma_start3A_17 : memref<512xi32, #tpu.memory_space<hbm>>) target(%arg5 : memref<512xi32, #tpu.memory_space<vmem>>) target_semaphore(%run_scoped3A : memref<!tpu.dma_semaphore, #tpu.memory_space<semaphore_mem>>)
      %dma_wait3A_18 = tpu.memref_slice %arg2[%mul3A_2] : memref<819200xi32, #tpu.memory_space<hbm>> -> memref<512xi32, #tpu.memory_space<hbm>>
      %dma_wait3A_19 = tpu.memref_slice %arg2[%mul3A_2] : memref<819200xi32, #tpu.memory_space<hbm>> -> memref<512xi32, #tpu.memory_space<hbm>>
      tpu.wait_dma2 semaphore(%run_scoped3A : memref<!tpu.dma_semaphore, #tpu.memory_space<semaphore_mem>>) src(%dma_wait3A_19 : memref<512xi32, #tpu.memory_space<hbm>>) dst(%arg5 : memref<512xi32, #tpu.memory_space<vmem>>)
      tpu.yield
    }) : () -> ()
    %dma_start3A = arith.constant 0 : i32
    %dma_start3A_3 = arith.constant 0 : i32
    %dma_start3A_4 = tpu.memref_slice %arg3[%dma_start3A, %dma_start3A_3] : memref<1000000x64xf32, #tpu.memory_space<hbm>> -> memref<1000000x64xf32, #tpu.memory_space<hbm>>
    tpu.enqueue_indirect_dma source(%dma_start3A_4 : memref<1000000x64xf32, #tpu.memory_space<hbm>>) target(%arg7 : memref<512x64xf32, #tpu.memory_space<vmem>>) offsets(%arg5 : memref<512xi32, #tpu.memory_space<vmem>>) semaphore(%arg10 : memref<!tpu.dma_semaphore, #tpu.memory_space<semaphore_mem>>)
    %scan3A = arith.constant 0 : i32
    %scan3A_5 = arith.constant 0 : i32
    %scan3A_6 = arith.constant 25 : i32
    %scan3A_7 = arith.addi %scan3A_5, %scan3A_6 : i32
    %scan3A_8 = arith.constant 1 : i32
    %scan3A_9 = scf.for %scan3A_16 = %scan3A_5 to %scan3A_7 step %scan3A_8 iter_args(%scan3A_17 = %scan3A) -> (i32)  : i32 {
      %mul3A_18 = arith.constant 2 : i32
      %mul3A_19 = arith.muli %mul3A_18, %scan3A_16 : i32
      %add3A_20 = arith.constant 0 : i32
      %add3A_21 = arith.addi %mul3A_19, %add3A_20 : i32
      %mul3A_22 = arith.constant 512 : i32
      %mul3A_23 = arith.muli %add3A_21, %mul3A_22 : i32
      %add3A_24 = arith.addi %mul3A_2, %mul3A_23 : i32
      %ge3A = arith.constant 1 : i32
      %ge3A_25 = arith.cmpi sge, %add3A_21, %ge3A : i32
      %convert_element_type3A = arith.extui %ge3A_25 : i1 to i32
      %cond3A = arith.constant 0 : i32
      %cond3A_26 = arith.cmpi ne, %convert_element_type3A, %cond3A : i32
      scf.if %cond3A_26 {
        %sub3A = arith.constant 512 : i32
        %sub3A_91 = arith.subi %add3A_24, %sub3A : i32
        %dma_wait3A_92 = arith.constant 0 : i32
        %dma_wait3A_93 = tpu.memref_slice %arg4[%sub3A_91, %dma_wait3A_92] : memref<819200x64xf32, #tpu.memory_space<hbm>> -> memref<512x64xf32, #tpu.memory_space<hbm>>
        %dma_wait3A_94 = arith.constant 0 : i32
        %dma_wait3A_95 = tpu.memref_slice %arg4[%sub3A_91, %dma_wait3A_94] : memref<819200x64xf32, #tpu.memory_space<hbm>> -> memref<512x64xf32, #tpu.memory_space<hbm>>
        tpu.wait_dma2 semaphore(%arg11 : memref<!tpu.dma_semaphore, #tpu.memory_space<semaphore_mem>>) src(%arg8 : memref<512x64xf32, #tpu.memory_space<vmem>>) dst(%dma_wait3A_95 : memref<512x64xf32, #tpu.memory_space<hbm>>)
      } else {
      }
      %lt3A = arith.constant 49 : i32
      %lt3A_27 = arith.cmpi slt, %add3A_21, %lt3A : i32
      %convert_element_type3A_28 = arith.extui %lt3A_27 : i1 to i32
      %cond3A_29 = arith.constant 0 : i32
      %cond3A_30 = arith.cmpi ne, %convert_element_type3A_28, %cond3A_29 : i32
      scf.if %cond3A_30 {
        %add3A_91 = arith.constant 512 : i32
        %add3A_92 = arith.addi %add3A_24, %add3A_91 : i32
        "tpu.region"() ({
          %run_scoped3A = tpu.sem_alloc : memref<!tpu.dma_semaphore, #tpu.memory_space<semaphore_mem>>
          %dma_start3A_96 = tpu.memref_slice %arg2[%add3A_92] : memref<819200xi32, #tpu.memory_space<hbm>> -> memref<512xi32, #tpu.memory_space<hbm>>
          %dma_start3A_97 = tpu.memref_slice %arg2[%add3A_92] : memref<819200xi32, #tpu.memory_space<hbm>> -> memref<512xi32, #tpu.memory_space<hbm>>
          tpu.enqueue_dma source(%dma_start3A_97 : memref<512xi32, #tpu.memory_space<hbm>>) target(%arg6 : memref<512xi32, #tpu.memory_space<vmem>>) target_semaphore(%run_scoped3A : memref<!tpu.dma_semaphore, #tpu.memory_space<semaphore_mem>>)
          %dma_wait3A_98 = tpu.memref_slice %arg2[%add3A_92] : memref<819200xi32, #tpu.memory_space<hbm>> -> memref<512xi32, #tpu.memory_space<hbm>>
          %dma_wait3A_99 = tpu.memref_slice %arg2[%add3A_92] : memref<819200xi32, #tpu.memory_space<hbm>> -> memref<512xi32, #tpu.memory_space<hbm>>
          tpu.wait_dma2 semaphore(%run_scoped3A : memref<!tpu.dma_semaphore, #tpu.memory_space<semaphore_mem>>) src(%dma_wait3A_99 : memref<512xi32, #tpu.memory_space<hbm>>) dst(%arg6 : memref<512xi32, #tpu.memory_space<vmem>>)
          tpu.yield
        }) : () -> ()
        %dma_start3A_93 = arith.constant 0 : i32
        %dma_start3A_94 = arith.constant 0 : i32
        %dma_start3A_95 = tpu.memref_slice %arg3[%dma_start3A_93, %dma_start3A_94] : memref<1000000x64xf32, #tpu.memory_space<hbm>> -> memref<1000000x64xf32, #tpu.memory_space<hbm>>
        tpu.enqueue_indirect_dma source(%dma_start3A_95 : memref<1000000x64xf32, #tpu.memory_space<hbm>>) target(%arg8 : memref<512x64xf32, #tpu.memory_space<vmem>>) offsets(%arg6 : memref<512xi32, #tpu.memory_space<vmem>>) semaphore(%arg10 : memref<!tpu.dma_semaphore, #tpu.memory_space<semaphore_mem>>)
      } else {
      }
      %dma_wait3A_31 = arith.constant 0 : i32
      %dma_wait3A_32 = arith.constant 0 : i32
      %dma_wait3A_33 = tpu.memref_slice %arg3[%dma_wait3A_31, %dma_wait3A_32] : memref<1000000x64xf32, #tpu.memory_space<hbm>> -> memref<1000000x64xf32, #tpu.memory_space<hbm>>
      tpu.wait_indirect_dma semaphore(%arg10 : memref<!tpu.dma_semaphore, #tpu.memory_space<semaphore_mem>>) src(%dma_wait3A_33 : memref<1000000x64xf32, #tpu.memory_space<hbm>>) dst(%arg7 : memref<512x64xf32, #tpu.memory_space<vmem>>)
      %scan3A_34 = arith.constant 0 : i32
      %scan3A_35 = arith.constant 0 : i32
      %scan3A_36 = arith.constant 512 : i32
      %scan3A_37 = arith.addi %scan3A_35, %scan3A_36 : i32
      %scan3A_38 = arith.constant 4 : i32
      %scan3A_39 = scf.for %scan3A_91 = %scan3A_35 to %scan3A_37 step %scan3A_38 iter_args(%scan3A_92 = %scan3A_34) -> (i32)  : i32 {
        %broadcast_in_dim3A = arith.constant 0.000000e+00 : f32
        %broadcast_in_dim3A_93 = vector.broadcast %broadcast_in_dim3A : f32 to vector<16xf32>
        %get3A = arith.index_cast %scan3A_91 : i32 to index
        %get3A_94 = arith.constant 0 : index
        %get3A_95 = tpu.vector_load %arg7[%get3A, %get3A_94] {strides = array<i32>} : memref<512x64xf32, #tpu.memory_space<vmem>>, vector<16xf32>,
        %mul3A_96 = arith.mulf %get3A_95, %get3A_95 : vector<16xf32>
        %add3A_97 = arith.addf %broadcast_in_dim3A_93, %mul3A_96 : vector<16xf32>
        %get3A_98 = arith.index_cast %scan3A_91 : i32 to index
        %get3A_99 = arith.constant 16 : index
        %get3A_100 = tpu.vector_load %arg7[%get3A_98, %get3A_99] {strides = array<i32>} : memref<512x64xf32, #tpu.memory_space<vmem>>, vector<16xf32>,
        %mul3A_101 = arith.mulf %get3A_100, %get3A_100 : vector<16xf32>
        %add3A_102 = arith.addf %add3A_97, %mul3A_101 : vector<16xf32>
        %get3A_103 = arith.index_cast %scan3A_91 : i32 to index
        %get3A_104 = arith.constant 32 : index
        %get3A_105 = tpu.vector_load %arg7[%get3A_103, %get3A_104] {strides = array<i32>} : memref<512x64xf32, #tpu.memory_space<vmem>>, vector<16xf32>,
        %mul3A_106 = arith.mulf %get3A_105, %get3A_105 : vector<16xf32>
        %add3A_107 = arith.addf %add3A_102, %mul3A_106 : vector<16xf32>
        %get3A_108 = arith.index_cast %scan3A_91 : i32 to index
        %get3A_109 = arith.constant 48 : index
        %get3A_110 = tpu.vector_load %arg7[%get3A_108, %get3A_109] {strides = array<i32>} : memref<512x64xf32, #tpu.memory_space<vmem>>, vector<16xf32>,
        %mul3A_111 = arith.mulf %get3A_110, %get3A_110 : vector<16xf32>
        %add3A_112 = arith.addf %add3A_107, %mul3A_111 : vector<16xf32>
        %reduce_sum3A = arith.constant true
        %reduce_sum3A_113 = vector.broadcast %reduce_sum3A : i1 to vector<16xi1>
        %reduce_sum3A_114 = tpu.scan <sum>, %add3A_112 masked %reduce_sum3A_113 : vector<16xf32>, vector<16xi1> -> vector<16xf32>
        %reduce_sum3A_115 = vector.extract %reduce_sum3A_114[15] : f32 from vector<16xf32>
        %bitcast_convert_type3A = arith.bitcast %reduce_sum3A_115 : f32 to i32
        %shift_right_arithmetic3A = arith.constant 1 : i32
        %shift_right_arithmetic3A_116 = arith.shrsi %bitcast_convert_type3A, %shift_right_arithmetic3A : i32
        %sub3A = arith.constant 1597463007 : i32
        %sub3A_117 = arith.subi %sub3A, %shift_right_arithmetic3A_116 : i32
        %bitcast_convert_type3A_118 = arith.bitcast %sub3A_117 : i32 to f32
        %mul3A_119 = arith.mulf %reduce_sum3A_115, %bitcast_convert_type3A_118 : f32
        %mul3A_120 = arith.constant 5.000000e-01 : f32
        %mul3A_121 = arith.mulf %mul3A_120, %mul3A_119 : f32
        %mul3A_122 = arith.mulf %mul3A_121, %bitcast_convert_type3A_118 : f32
        %sub3A_123 = arith.constant 1.500000e+00 : f32
        %sub3A_124 = arith.subf %sub3A_123, %mul3A_122 : f32
        %mul3A_125 = arith.mulf %bitcast_convert_type3A_118, %sub3A_124 : f32
        %mul3A_126 = arith.mulf %reduce_sum3A_115, %mul3A_125 : f32
        %mul3A_127 = arith.constant 5.000000e-01 : f32
        %mul3A_128 = arith.mulf %mul3A_127, %mul3A_126 : f32
        %mul3A_129 = arith.mulf %mul3A_128, %mul3A_125 : f32
        %sub3A_130 = arith.constant 1.500000e+00 : f32
        %sub3A_131 = arith.subf %sub3A_130, %mul3A_129 : f32
        %mul3A_132 = arith.mulf %mul3A_125, %sub3A_131 : f32
        %mul3A_133 = arith.mulf %reduce_sum3A_115, %mul3A_132 : f32
        %mul3A_134 = arith.constant 1.001001 : f32
        %mul3A_135 = arith.mulf %mul3A_133, %mul3A_134 : f32
        %min3A = arith.constant 1.000000e+00 : f32
        %min3A_136 = arith.minimumf %mul3A_135, %min3A : f32
        %add3A_137 = arith.constant 9.99999993E-9 : f32
        %add3A_138 = arith.addf %min3A_136, %add3A_137 : f32
        %bitcast_convert_type3A_139 = arith.bitcast %add3A_138 : f32 to i32
        %sub3A_140 = arith.constant 2129733610 : i32
        %sub3A_141 = arith.subi %sub3A_140, %bitcast_convert_type3A_139 : i32
        %bitcast_convert_type3A_142 = arith.bitcast %sub3A_141 : i32 to f32
        %mul3A_143 = arith.mulf %add3A_138, %bitcast_convert_type3A_142 : f32
        %sub3A_144 = arith.constant 2.000000e+00 : f32
        %sub3A_145 = arith.subf %sub3A_144, %mul3A_143 : f32
        %mul3A_146 = arith.mulf %bitcast_convert_type3A_142, %sub3A_145 : f32
        %mul3A_147 = arith.mulf %add3A_138, %mul3A_146 : f32
        %sub3A_148 = arith.constant 2.000000e+00 : f32
        %sub3A_149 = arith.subf %sub3A_148, %mul3A_147 : f32
        %mul3A_150 = arith.mulf %mul3A_146, %sub3A_149 : f32
        %swap3A = arith.index_cast %scan3A_91 : i32 to index
        %swap3A_151 = memref.load %arg9[%swap3A] : memref<512xf32, #tpu.memory_space<smem>>
        memref.store %mul3A_150, %arg9[%swap3A] : memref<512xf32, #tpu.memory_space<smem>>
        %scan3A_152 = arith.constant 0 : i32
        %scan3A_153 = arith.constant 1 : i32
        %scan3A_154 = arith.addi %scan3A_91, %scan3A_153 : i32
        %broadcast_in_dim3A_155 = arith.constant 0.000000e+00 : f32
        %broadcast_in_dim3A_156 = vector.broadcast %broadcast_in_dim3A_155 : f32 to vector<16xf32>
        %get3A_157 = arith.index_cast %scan3A_154 : i32 to index
        %get3A_158 = arith.constant 0 : index
        %get3A_159 = tpu.vector_load %arg7[%get3A_157, %get3A_158] {strides = array<i32>} : memref<512x64xf32, #tpu.memory_space<vmem>>, vector<16xf32>,
        %mul3A_160 = arith.mulf %get3A_159, %get3A_159 : vector<16xf32>
        %add3A_161 = arith.addf %broadcast_in_dim3A_156, %mul3A_160 : vector<16xf32>
        %get3A_162 = arith.index_cast %scan3A_154 : i32 to index
        %get3A_163 = arith.constant 16 : index
        %get3A_164 = tpu.vector_load %arg7[%get3A_162, %get3A_163] {strides = array<i32>} : memref<512x64xf32, #tpu.memory_space<vmem>>, vector<16xf32>,
        %mul3A_165 = arith.mulf %get3A_164, %get3A_164 : vector<16xf32>
        %add3A_166 = arith.addf %add3A_161, %mul3A_165 : vector<16xf32>
        %get3A_167 = arith.index_cast %scan3A_154 : i32 to index
        %get3A_168 = arith.constant 32 : index
        %get3A_169 = tpu.vector_load %arg7[%get3A_167, %get3A_168] {strides = array<i32>} : memref<512x64xf32, #tpu.memory_space<vmem>>, vector<16xf32>,
        %mul3A_170 = arith.mulf %get3A_169, %get3A_169 : vector<16xf32>
        %add3A_171 = arith.addf %add3A_166, %mul3A_170 : vector<16xf32>
        %get3A_172 = arith.index_cast %scan3A_154 : i32 to index
        %get3A_173 = arith.constant 48 : index
        %get3A_174 = tpu.vector_load %arg7[%get3A_172, %get3A_173] {strides = array<i32>} : memref<512x64xf32, #tpu.memory_space<vmem>>, vector<16xf32>,
        %mul3A_175 = arith.mulf %get3A_174, %get3A_174 : vector<16xf32>
        %add3A_176 = arith.addf %add3A_171, %mul3A_175 : vector<16xf32>
        %reduce_sum3A_177 = arith.constant true
        %reduce_sum3A_178 = vector.broadcast %reduce_sum3A_177 : i1 to vector<16xi1>
        %reduce_sum3A_179 = tpu.scan <sum>, %add3A_176 masked %reduce_sum3A_178 : vector<16xf32>, vector<16xi1> -> vector<16xf32>
        %reduce_sum3A_180 = vector.extract %reduce_sum3A_179[15] : f32 from vector<16xf32>
        %bitcast_convert_type3A_181 = arith.bitcast %reduce_sum3A_180 : f32 to i32
        %shift_right_arithmetic3A_182 = arith.constant 1 : i32
        %shift_right_arithmetic3A_183 = arith.shrsi %bitcast_convert_type3A_181, %shift_right_arithmetic3A_182 : i32
        %sub3A_184 = arith.constant 1597463007 : i32
        %sub3A_185 = arith.subi %sub3A_184, %shift_right_arithmetic3A_183 : i32
        %bitcast_convert_type3A_186 = arith.bitcast %sub3A_185 : i32 to f32
        %mul3A_187 = arith.mulf %reduce_sum3A_180, %bitcast_convert_type3A_186 : f32
        %mul3A_188 = arith.constant 5.000000e-01 : f32
        %mul3A_189 = arith.mulf %mul3A_188, %mul3A_187 : f32
        %mul3A_190 = arith.mulf %mul3A_189, %bitcast_convert_type3A_186 : f32
        %sub3A_191 = arith.constant 1.500000e+00 : f32
        %sub3A_192 = arith.subf %sub3A_191, %mul3A_190 : f32
        %mul3A_193 = arith.mulf %bitcast_convert_type3A_186, %sub3A_192 : f32
        %mul3A_194 = arith.mulf %reduce_sum3A_180, %mul3A_193 : f32
        %mul3A_195 = arith.constant 5.000000e-01 : f32
        %mul3A_196 = arith.mulf %mul3A_195, %mul3A_194 : f32
        %mul3A_197 = arith.mulf %mul3A_196, %mul3A_193 : f32
        %sub3A_198 = arith.constant 1.500000e+00 : f32
        %sub3A_199 = arith.subf %sub3A_198, %mul3A_197 : f32
        %mul3A_200 = arith.mulf %mul3A_193, %sub3A_199 : f32
        %mul3A_201 = arith.mulf %reduce_sum3A_180, %mul3A_200 : f32
        %mul3A_202 = arith.constant 1.001001 : f32
        %mul3A_203 = arith.mulf %mul3A_201, %mul3A_202 : f32
        %min3A_204 = arith.constant 1.000000e+00 : f32
        %min3A_205 = arith.minimumf %mul3A_203, %min3A_204 : f32
        %add3A_206 = arith.constant 9.99999993E-9 : f32
        %add3A_207 = arith.addf %min3A_205, %add3A_206 : f32
        %bitcast_convert_type3A_208 = arith.bitcast %add3A_207 : f32 to i32
        %sub3A_209 = arith.constant 2129733610 : i32
        %sub3A_210 = arith.subi %sub3A_209, %bitcast_convert_type3A_208 : i32
        %bitcast_convert_type3A_211 = arith.bitcast %sub3A_210 : i32 to f32
        %mul3A_212 = arith.mulf %add3A_207, %bitcast_convert_type3A_211 : f32
        %sub3A_213 = arith.constant 2.000000e+00 : f32
        %sub3A_214 = arith.subf %sub3A_213, %mul3A_212 : f32
        %mul3A_215 = arith.mulf %bitcast_convert_type3A_211, %sub3A_214 : f32
        %mul3A_216 = arith.mulf %add3A_207, %mul3A_215 : f32
        %sub3A_217 = arith.constant 2.000000e+00 : f32
        %sub3A_218 = arith.subf %sub3A_217, %mul3A_216 : f32
        %mul3A_219 = arith.mulf %mul3A_215, %sub3A_218 : f32
        %swap3A_220 = arith.index_cast %scan3A_154 : i32 to index
        %swap3A_221 = memref.load %arg9[%swap3A_220] : memref<512xf32, #tpu.memory_space<smem>>
        memref.store %mul3A_219, %arg9[%swap3A_220] : memref<512xf32, #tpu.memory_space<smem>>
        %scan3A_222 = arith.constant 0 : i32
        %scan3A_223 = arith.constant 2 : i32
        %scan3A_224 = arith.addi %scan3A_91, %scan3A_223 : i32
        %broadcast_in_dim3A_225 = arith.constant 0.000000e+00 : f32
        %broadcast_in_dim3A_226 = vector.broadcast %broadcast_in_dim3A_225 : f32 to vector<16xf32>
        %get3A_227 = arith.index_cast %scan3A_224 : i32 to index
        %get3A_228 = arith.constant 0 : index
        %get3A_229 = tpu.vector_load %arg7[%get3A_227, %get3A_228] {strides = array<i32>} : memref<512x64xf32, #tpu.memory_space<vmem>>, vector<16xf32>,
        %mul3A_230 = arith.mulf %get3A_229, %get3A_229 : vector<16xf32>
        %add3A_231 = arith.addf %broadcast_in_dim3A_226, %mul3A_230 : vector<16xf32>
        %get3A_232 = arith.index_cast %scan3A_224 : i32 to index
        %get3A_233 = arith.constant 16 : index
        %get3A_234 = tpu.vector_load %arg7[%get3A_232, %get3A_233] {strides = array<i32>} : memref<512x64xf32, #tpu.memory_space<vmem>>, vector<16xf32>,
        %mul3A_235 = arith.mulf %get3A_234, %get3A_234 : vector<16xf32>
        %add3A_236 = arith.addf %add3A_231, %mul3A_235 : vector<16xf32>
        %get3A_237 = arith.index_cast %scan3A_224 : i32 to index
        %get3A_238 = arith.constant 32 : index
        %get3A_239 = tpu.vector_load %arg7[%get3A_237, %get3A_238] {strides = array<i32>} : memref<512x64xf32, #tpu.memory_space<vmem>>, vector<16xf32>,
        %mul3A_240 = arith.mulf %get3A_239, %get3A_239 : vector<16xf32>
        %add3A_241 = arith.addf %add3A_236, %mul3A_240 : vector<16xf32>
        %get3A_242 = arith.index_cast %scan3A_224 : i32 to index
        %get3A_243 = arith.constant 48 : index
        %get3A_244 = tpu.vector_load %arg7[%get3A_242, %get3A_243] {strides = array<i32>} : memref<512x64xf32, #tpu.memory_space<vmem>>, vector<16xf32>,
        %mul3A_245 = arith.mulf %get3A_244, %get3A_244 : vector<16xf32>
        %add3A_246 = arith.addf %add3A_241, %mul3A_245 : vector<16xf32>
        %reduce_sum3A_247 = arith.constant true
        %reduce_sum3A_248 = vector.broadcast %reduce_sum3A_247 : i1 to vector<16xi1>
        %reduce_sum3A_249 = tpu.scan <sum>, %add3A_246 masked %reduce_sum3A_248 : vector<16xf32>, vector<16xi1> -> vector<16xf32>
        %reduce_sum3A_250 = vector.extract %reduce_sum3A_249[15] : f32 from vector<16xf32>
        %bitcast_convert_type3A_251 = arith.bitcast %reduce_sum3A_250 : f32 to i32
        %shift_right_arithmetic3A_252 = arith.constant 1 : i32
        %shift_right_arithmetic3A_253 = arith.shrsi %bitcast_convert_type3A_251, %shift_right_arithmetic3A_252 : i32
        %sub3A_254 = arith.constant 1597463007 : i32
        %sub3A_255 = arith.subi %sub3A_254, %shift_right_arithmetic3A_253 : i32
        %bitcast_convert_type3A_256 = arith.bitcast %sub3A_255 : i32 to f32
        %mul3A_257 = arith.mulf %reduce_sum3A_250, %bitcast_convert_type3A_256 : f32
        %mul3A_258 = arith.constant 5.000000e-01 : f32
        %mul3A_259 = arith.mulf %mul3A_258, %mul3A_257 : f32
        %mul3A_260 = arith.mulf %mul3A_259, %bitcast_convert_type3A_256 : f32
        %sub3A_261 = arith.constant 1.500000e+00 : f32
        %sub3A_262 = arith.subf %sub3A_261, %mul3A_260 : f32
        %mul3A_263 = arith.mulf %bitcast_convert_type3A_256, %sub3A_262 : f32
        %mul3A_264 = arith.mulf %reduce_sum3A_250, %mul3A_263 : f32
        %mul3A_265 = arith.constant 5.000000e-01 : f32
        %mul3A_266 = arith.mulf %mul3A_265, %mul3A_264 : f32
        %mul3A_267 = arith.mulf %mul3A_266, %mul3A_263 : f32
        %sub3A_268 = arith.constant 1.500000e+00 : f32
        %sub3A_269 = arith.subf %sub3A_268, %mul3A_267 : f32
        %mul3A_270 = arith.mulf %mul3A_263, %sub3A_269 : f32
        %mul3A_271 = arith.mulf %reduce_sum3A_250, %mul3A_270 : f32
        %mul3A_272 = arith.constant 1.001001 : f32
        %mul3A_273 = arith.mulf %mul3A_271, %mul3A_272 : f32
        %min3A_274 = arith.constant 1.000000e+00 : f32
        %min3A_275 = arith.minimumf %mul3A_273, %min3A_274 : f32
        %add3A_276 = arith.constant 9.99999993E-9 : f32
        %add3A_277 = arith.addf %min3A_275, %add3A_276 : f32
        %bitcast_convert_type3A_278 = arith.bitcast %add3A_277 : f32 to i32
        %sub3A_279 = arith.constant 2129733610 : i32
        %sub3A_280 = arith.subi %sub3A_279, %bitcast_convert_type3A_278 : i32
        %bitcast_convert_type3A_281 = arith.bitcast %sub3A_280 : i32 to f32
        %mul3A_282 = arith.mulf %add3A_277, %bitcast_convert_type3A_281 : f32
        %sub3A_283 = arith.constant 2.000000e+00 : f32
        %sub3A_284 = arith.subf %sub3A_283, %mul3A_282 : f32
        %mul3A_285 = arith.mulf %bitcast_convert_type3A_281, %sub3A_284 : f32
        %mul3A_286 = arith.mulf %add3A_277, %mul3A_285 : f32
        %sub3A_287 = arith.constant 2.000000e+00 : f32
        %sub3A_288 = arith.subf %sub3A_287, %mul3A_286 : f32
        %mul3A_289 = arith.mulf %mul3A_285, %sub3A_288 : f32
        %swap3A_290 = arith.index_cast %scan3A_224 : i32 to index
        %swap3A_291 = memref.load %arg9[%swap3A_290] : memref<512xf32, #tpu.memory_space<smem>>
        memref.store %mul3A_289, %arg9[%swap3A_290] : memref<512xf32, #tpu.memory_space<smem>>
        %scan3A_292 = arith.constant 0 : i32
        %scan3A_293 = arith.constant 3 : i32
        %scan3A_294 = arith.addi %scan3A_91, %scan3A_293 : i32
        %broadcast_in_dim3A_295 = arith.constant 0.000000e+00 : f32
        %broadcast_in_dim3A_296 = vector.broadcast %broadcast_in_dim3A_295 : f32 to vector<16xf32>
        %get3A_297 = arith.index_cast %scan3A_294 : i32 to index
        %get3A_298 = arith.constant 0 : index
        %get3A_299 = tpu.vector_load %arg7[%get3A_297, %get3A_298] {strides = array<i32>} : memref<512x64xf32, #tpu.memory_space<vmem>>, vector<16xf32>,
        %mul3A_300 = arith.mulf %get3A_299, %get3A_299 : vector<16xf32>
        %add3A_301 = arith.addf %broadcast_in_dim3A_296, %mul3A_300 : vector<16xf32>
        %get3A_302 = arith.index_cast %scan3A_294 : i32 to index
        %get3A_303 = arith.constant 16 : index
        %get3A_304 = tpu.vector_load %arg7[%get3A_302, %get3A_303] {strides = array<i32>} : memref<512x64xf32, #tpu.memory_space<vmem>>, vector<16xf32>,
        %mul3A_305 = arith.mulf %get3A_304, %get3A_304 : vector<16xf32>
        %add3A_306 = arith.addf %add3A_301, %mul3A_305 : vector<16xf32>
        %get3A_307 = arith.index_cast %scan3A_294 : i32 to index
        %get3A_308 = arith.constant 32 : index
        %get3A_309 = tpu.vector_load %arg7[%get3A_307, %get3A_308] {strides = array<i32>} : memref<512x64xf32, #tpu.memory_space<vmem>>, vector<16xf32>,
        %mul3A_310 = arith.mulf %get3A_309, %get3A_309 : vector<16xf32>
        %add3A_311 = arith.addf %add3A_306, %mul3A_310 : vector<16xf32>
        %get3A_312 = arith.index_cast %scan3A_294 : i32 to index
        %get3A_313 = arith.constant 48 : index
        %get3A_314 = tpu.vector_load %arg7[%get3A_312, %get3A_313] {strides = array<i32>} : memref<512x64xf32, #tpu.memory_space<vmem>>, vector<16xf32>,
        %mul3A_315 = arith.mulf %get3A_314, %get3A_314 : vector<16xf32>
        %add3A_316 = arith.addf %add3A_311, %mul3A_315 : vector<16xf32>
        %reduce_sum3A_317 = arith.constant true
        %reduce_sum3A_318 = vector.broadcast %reduce_sum3A_317 : i1 to vector<16xi1>
        %reduce_sum3A_319 = tpu.scan <sum>, %add3A_316 masked %reduce_sum3A_318 : vector<16xf32>, vector<16xi1> -> vector<16xf32>
        %reduce_sum3A_320 = vector.extract %reduce_sum3A_319[15] : f32 from vector<16xf32>
        %bitcast_convert_type3A_321 = arith.bitcast %reduce_sum3A_320 : f32 to i32
        %shift_right_arithmetic3A_322 = arith.constant 1 : i32
        %shift_right_arithmetic3A_323 = arith.shrsi %bitcast_convert_type3A_321, %shift_right_arithmetic3A_322 : i32
        %sub3A_324 = arith.constant 1597463007 : i32
        %sub3A_325 = arith.subi %sub3A_324, %shift_right_arithmetic3A_323 : i32
        %bitcast_convert_type3A_326 = arith.bitcast %sub3A_325 : i32 to f32
        %mul3A_327 = arith.mulf %reduce_sum3A_320, %bitcast_convert_type3A_326 : f32
        %mul3A_328 = arith.constant 5.000000e-01 : f32
        %mul3A_329 = arith.mulf %mul3A_328, %mul3A_327 : f32
        %mul3A_330 = arith.mulf %mul3A_329, %bitcast_convert_type3A_326 : f32
        %sub3A_331 = arith.constant 1.500000e+00 : f32
        %sub3A_332 = arith.subf %sub3A_331, %mul3A_330 : f32
        %mul3A_333 = arith.mulf %bitcast_convert_type3A_326, %sub3A_332 : f32
        %mul3A_334 = arith.mulf %reduce_sum3A_320, %mul3A_333 : f32
        %mul3A_335 = arith.constant 5.000000e-01 : f32
        %mul3A_336 = arith.mulf %mul3A_335, %mul3A_334 : f32
        %mul3A_337 = arith.mulf %mul3A_336, %mul3A_333 : f32
        %sub3A_338 = arith.constant 1.500000e+00 : f32
        %sub3A_339 = arith.subf %sub3A_338, %mul3A_337 : f32
        %mul3A_340 = arith.mulf %mul3A_333, %sub3A_339 : f32
        %mul3A_341 = arith.mulf %reduce_sum3A_320, %mul3A_340 : f32
        %mul3A_342 = arith.constant 1.001001 : f32
        %mul3A_343 = arith.mulf %mul3A_341, %mul3A_342 : f32
        %min3A_344 = arith.constant 1.000000e+00 : f32
        %min3A_345 = arith.minimumf %mul3A_343, %min3A_344 : f32
        %add3A_346 = arith.constant 9.99999993E-9 : f32
        %add3A_347 = arith.addf %min3A_345, %add3A_346 : f32
        %bitcast_convert_type3A_348 = arith.bitcast %add3A_347 : f32 to i32
        %sub3A_349 = arith.constant 2129733610 : i32
        %sub3A_350 = arith.subi %sub3A_349, %bitcast_convert_type3A_348 : i32
        %bitcast_convert_type3A_351 = arith.bitcast %sub3A_350 : i32 to f32
        %mul3A_352 = arith.mulf %add3A_347, %bitcast_convert_type3A_351 : f32
        %sub3A_353 = arith.constant 2.000000e+00 : f32
        %sub3A_354 = arith.subf %sub3A_353, %mul3A_352 : f32
        %mul3A_355 = arith.mulf %bitcast_convert_type3A_351, %sub3A_354 : f32
        %mul3A_356 = arith.mulf %add3A_347, %mul3A_355 : f32
        %sub3A_357 = arith.constant 2.000000e+00 : f32
        %sub3A_358 = arith.subf %sub3A_357, %mul3A_356 : f32
        %mul3A_359 = arith.mulf %mul3A_355, %sub3A_358 : f32
        %swap3A_360 = arith.index_cast %scan3A_294 : i32 to index
        %swap3A_361 = memref.load %arg9[%swap3A_360] : memref<512xf32, #tpu.memory_space<smem>>
        memref.store %mul3A_359, %arg9[%swap3A_360] : memref<512xf32, #tpu.memory_space<smem>>
        %scan3A_362 = arith.constant 0 : i32
        scf.yield %scan3A_362 : i32
      }
      %scan3A_40 = arith.constant 512 : i32
      %scan3A_41 = arith.constant 0 : i32
      %scan3A_42 = arith.constant 0 : i32
      %scan3A_43 = arith.constant 512 : i32
      %scan3A_44 = arith.addi %scan3A_42, %scan3A_43 : i32
      %scan3A_45 = arith.constant 4 : i32
      %scan3A_46 = scf.for %scan3A_91 = %scan3A_42 to %scan3A_44 step %scan3A_45 iter_args(%scan3A_92 = %scan3A_41) -> (i32)  : i32 {
        %get3A = arith.index_cast %scan3A_91 : i32 to index
        %get3A_93 = memref.load %arg9[%get3A] : memref<512xf32, #tpu.memory_space<smem>>
        %get3A_94 = arith.index_cast %scan3A_91 : i32 to index
        %get3A_95 = arith.constant 0 : index
        %get3A_96 = tpu.vector_load %arg7[%get3A_94, %get3A_95] {strides = array<i32>} : memref<512x64xf32, #tpu.memory_space<vmem>>, vector<16xf32>,
        %mul3A_97 = vector.broadcast %get3A_93 : f32 to vector<16xf32>
        %mul3A_98 = arith.mulf %get3A_96, %mul3A_97 : vector<16xf32>
        %swap3A = arith.index_cast %scan3A_91 : i32 to index
        %swap3A_99 = arith.constant 0 : index
        %swap3A_100 = tpu.vector_load %arg7[%swap3A, %swap3A_99] {strides = array<i32>} : memref<512x64xf32, #tpu.memory_space<vmem>>, vector<16xf32>,
        tpu.vector_store %arg7[%swap3A, %swap3A_99], %mul3A_98 {strides = array<i32>} : memref<512x64xf32, #tpu.memory_space<vmem>>, vector<16xf32>,
        %get3A_101 = arith.index_cast %scan3A_91 : i32 to index
        %get3A_102 = arith.constant 16 : index
        %get3A_103 = tpu.vector_load %arg7[%get3A_101, %get3A_102] {strides = array<i32>} : memref<512x64xf32, #tpu.memory_space<vmem>>, vector<16xf32>,
        %mul3A_104 = vector.broadcast %get3A_93 : f32 to vector<16xf32>
        %mul3A_105 = arith.mulf %get3A_103, %mul3A_104 : vector<16xf32>
        %swap3A_106 = arith.index_cast %scan3A_91 : i32 to index
        %swap3A_107 = arith.constant 16 : index
        %swap3A_108 = tpu.vector_load %arg7[%swap3A_106, %swap3A_107] {strides = array<i32>} : memref<512x64xf32, #tpu.memory_space<vmem>>, vector<16xf32>,
        tpu.vector_store %arg7[%swap3A_106, %swap3A_107], %mul3A_105 {strides = array<i32>} : memref<512x64xf32, #tpu.memory_space<vmem>>, vector<16xf32>,
        %get3A_109 = arith.index_cast %scan3A_91 : i32 to index
        %get3A_110 = arith.constant 32 : index
        %get3A_111 = tpu.vector_load %arg7[%get3A_109, %get3A_110] {strides = array<i32>} : memref<512x64xf32, #tpu.memory_space<vmem>>, vector<16xf32>,
        %mul3A_112 = vector.broadcast %get3A_93 : f32 to vector<16xf32>
        %mul3A_113 = arith.mulf %get3A_111, %mul3A_112 : vector<16xf32>
        %swap3A_114 = arith.index_cast %scan3A_91 : i32 to index
        %swap3A_115 = arith.constant 32 : index
        %swap3A_116 = tpu.vector_load %arg7[%swap3A_114, %swap3A_115] {strides = array<i32>} : memref<512x64xf32, #tpu.memory_space<vmem>>, vector<16xf32>,
        tpu.vector_store %arg7[%swap3A_114, %swap3A_115], %mul3A_113 {strides = array<i32>} : memref<512x64xf32, #tpu.memory_space<vmem>>, vector<16xf32>,
        %get3A_117 = arith.index_cast %scan3A_91 : i32 to index
        %get3A_118 = arith.constant 48 : index
        %get3A_119 = tpu.vector_load %arg7[%get3A_117, %get3A_118] {strides = array<i32>} : memref<512x64xf32, #tpu.memory_space<vmem>>, vector<16xf32>,
        %mul3A_120 = vector.broadcast %get3A_93 : f32 to vector<16xf32>
        %mul3A_121 = arith.mulf %get3A_119, %mul3A_120 : vector<16xf32>
        %swap3A_122 = arith.index_cast %scan3A_91 : i32 to index
        %swap3A_123 = arith.constant 48 : index
        %swap3A_124 = tpu.vector_load %arg7[%swap3A_122, %swap3A_123] {strides = array<i32>} : memref<512x64xf32, #tpu.memory_space<vmem>>, vector<16xf32>,
        tpu.vector_store %arg7[%swap3A_122, %swap3A_123], %mul3A_121 {strides = array<i32>} : memref<512x64xf32, #tpu.memory_space<vmem>>, vector<16xf32>,
        %scan3A_125 = arith.constant 0 : i32
        %scan3A_126 = arith.constant 1 : i32
        %scan3A_127 = arith.addi %scan3A_91, %scan3A_126 : i32
        %get3A_128 = arith.index_cast %scan3A_127 : i32 to index
        %get3A_129 = memref.load %arg9[%get3A_128] : memref<512xf32, #tpu.memory_space<smem>>
        %get3A_130 = arith.index_cast %scan3A_127 : i32 to index
        %get3A_131 = arith.constant 0 : index
        %get3A_132 = tpu.vector_load %arg7[%get3A_130, %get3A_131] {strides = array<i32>} : memref<512x64xf32, #tpu.memory_space<vmem>>, vector<16xf32>,
        %mul3A_133 = vector.broadcast %get3A_129 : f32 to vector<16xf32>
        %mul3A_134 = arith.mulf %get3A_132, %mul3A_133 : vector<16xf32>
        %swap3A_135 = arith.index_cast %scan3A_127 : i32 to index
        %swap3A_136 = arith.constant 0 : index
        %swap3A_137 = tpu.vector_load %arg7[%swap3A_135, %swap3A_136] {strides = array<i32>} : memref<512x64xf32, #tpu.memory_space<vmem>>, vector<16xf32>,
        tpu.vector_store %arg7[%swap3A_135, %swap3A_136], %mul3A_134 {strides = array<i32>} : memref<512x64xf32, #tpu.memory_space<vmem>>, vector<16xf32>,
        %get3A_138 = arith.index_cast %scan3A_127 : i32 to index
        %get3A_139 = arith.constant 16 : index
        %get3A_140 = tpu.vector_load %arg7[%get3A_138, %get3A_139] {strides = array<i32>} : memref<512x64xf32, #tpu.memory_space<vmem>>, vector<16xf32>,
        %mul3A_141 = vector.broadcast %get3A_129 : f32 to vector<16xf32>
        %mul3A_142 = arith.mulf %get3A_140, %mul3A_141 : vector<16xf32>
        %swap3A_143 = arith.index_cast %scan3A_127 : i32 to index
        %swap3A_144 = arith.constant 16 : index
        %swap3A_145 = tpu.vector_load %arg7[%swap3A_143, %swap3A_144] {strides = array<i32>} : memref<512x64xf32, #tpu.memory_space<vmem>>, vector<16xf32>,
        tpu.vector_store %arg7[%swap3A_143, %swap3A_144], %mul3A_142 {strides = array<i32>} : memref<512x64xf32, #tpu.memory_space<vmem>>, vector<16xf32>,
        %get3A_146 = arith.index_cast %scan3A_127 : i32 to index
        %get3A_147 = arith.constant 32 : index
        %get3A_148 = tpu.vector_load %arg7[%get3A_146, %get3A_147] {strides = array<i32>} : memref<512x64xf32, #tpu.memory_space<vmem>>, vector<16xf32>,
        %mul3A_149 = vector.broadcast %get3A_129 : f32 to vector<16xf32>
        %mul3A_150 = arith.mulf %get3A_148, %mul3A_149 : vector<16xf32>
        %swap3A_151 = arith.index_cast %scan3A_127 : i32 to index
        %swap3A_152 = arith.constant 32 : index
        %swap3A_153 = tpu.vector_load %arg7[%swap3A_151, %swap3A_152] {strides = array<i32>} : memref<512x64xf32, #tpu.memory_space<vmem>>, vector<16xf32>,
        tpu.vector_store %arg7[%swap3A_151, %swap3A_152], %mul3A_150 {strides = array<i32>} : memref<512x64xf32, #tpu.memory_space<vmem>>, vector<16xf32>,
        %get3A_154 = arith.index_cast %scan3A_127 : i32 to index
        %get3A_155 = arith.constant 48 : index
        %get3A_156 = tpu.vector_load %arg7[%get3A_154, %get3A_155] {strides = array<i32>} : memref<512x64xf32, #tpu.memory_space<vmem>>, vector<16xf32>,
        %mul3A_157 = vector.broadcast %get3A_129 : f32 to vector<16xf32>
        %mul3A_158 = arith.mulf %get3A_156, %mul3A_157 : vector<16xf32>
        %swap3A_159 = arith.index_cast %scan3A_127 : i32 to index
        %swap3A_160 = arith.constant 48 : index
        %swap3A_161 = tpu.vector_load %arg7[%swap3A_159, %swap3A_160] {strides = array<i32>} : memref<512x64xf32, #tpu.memory_space<vmem>>, vector<16xf32>,
        tpu.vector_store %arg7[%swap3A_159, %swap3A_160], %mul3A_158 {strides = array<i32>} : memref<512x64xf32, #tpu.memory_space<vmem>>, vector<16xf32>,
        %scan3A_162 = arith.constant 0 : i32
        %scan3A_163 = arith.constant 2 : i32
        %scan3A_164 = arith.addi %scan3A_91, %scan3A_163 : i32
        %get3A_165 = arith.index_cast %scan3A_164 : i32 to index
        %get3A_166 = memref.load %arg9[%get3A_165] : memref<512xf32, #tpu.memory_space<smem>>
        %get3A_167 = arith.index_cast %scan3A_164 : i32 to index
        %get3A_168 = arith.constant 0 : index
        %get3A_169 = tpu.vector_load %arg7[%get3A_167, %get3A_168] {strides = array<i32>} : memref<512x64xf32, #tpu.memory_space<vmem>>, vector<16xf32>,
        %mul3A_170 = vector.broadcast %get3A_166 : f32 to vector<16xf32>
        %mul3A_171 = arith.mulf %get3A_169, %mul3A_170 : vector<16xf32>
        %swap3A_172 = arith.index_cast %scan3A_164 : i32 to index
        %swap3A_173 = arith.constant 0 : index
        %swap3A_174 = tpu.vector_load %arg7[%swap3A_172, %swap3A_173] {strides = array<i32>} : memref<512x64xf32, #tpu.memory_space<vmem>>, vector<16xf32>,
        tpu.vector_store %arg7[%swap3A_172, %swap3A_173], %mul3A_171 {strides = array<i32>} : memref<512x64xf32, #tpu.memory_space<vmem>>, vector<16xf32>,
        %get3A_175 = arith.index_cast %scan3A_164 : i32 to index
        %get3A_176 = arith.constant 16 : index
        %get3A_177 = tpu.vector_load %arg7[%get3A_175, %get3A_176] {strides = array<i32>} : memref<512x64xf32, #tpu.memory_space<vmem>>, vector<16xf32>,
        %mul3A_178 = vector.broadcast %get3A_166 : f32 to vector<16xf32>
        %mul3A_179 = arith.mulf %get3A_177, %mul3A_178 : vector<16xf32>
        %swap3A_180 = arith.index_cast %scan3A_164 : i32 to index
        %swap3A_181 = arith.constant 16 : index
        %swap3A_182 = tpu.vector_load %arg7[%swap3A_180, %swap3A_181] {strides = array<i32>} : memref<512x64xf32, #tpu.memory_space<vmem>>, vector<16xf32>,
        tpu.vector_store %arg7[%swap3A_180, %swap3A_181], %mul3A_179 {strides = array<i32>} : memref<512x64xf32, #tpu.memory_space<vmem>>, vector<16xf32>,
        %get3A_183 = arith.index_cast %scan3A_164 : i32 to index
        %get3A_184 = arith.constant 32 : index
        %get3A_185 = tpu.vector_load %arg7[%get3A_183, %get3A_184] {strides = array<i32>} : memref<512x64xf32, #tpu.memory_space<vmem>>, vector<16xf32>,
        %mul3A_186 = vector.broadcast %get3A_166 : f32 to vector<16xf32>
        %mul3A_187 = arith.mulf %get3A_185, %mul3A_186 : vector<16xf32>
        %swap3A_188 = arith.index_cast %scan3A_164 : i32 to index
        %swap3A_189 = arith.constant 32 : index
        %swap3A_190 = tpu.vector_load %arg7[%swap3A_188, %swap3A_189] {strides = array<i32>} : memref<512x64xf32, #tpu.memory_space<vmem>>, vector<16xf32>,
        tpu.vector_store %arg7[%swap3A_188, %swap3A_189], %mul3A_187 {strides = array<i32>} : memref<512x64xf32, #tpu.memory_space<vmem>>, vector<16xf32>,
        %get3A_191 = arith.index_cast %scan3A_164 : i32 to index
        %get3A_192 = arith.constant 48 : index
        %get3A_193 = tpu.vector_load %arg7[%get3A_191, %get3A_192] {strides = array<i32>} : memref<512x64xf32, #tpu.memory_space<vmem>>, vector<16xf32>,
        %mul3A_194 = vector.broadcast %get3A_166 : f32 to vector<16xf32>
        %mul3A_195 = arith.mulf %get3A_193, %mul3A_194 : vector<16xf32>
        %swap3A_196 = arith.index_cast %scan3A_164 : i32 to index
        %swap3A_197 = arith.constant 48 : index
        %swap3A_198 = tpu.vector_load %arg7[%swap3A_196, %swap3A_197] {strides = array<i32>} : memref<512x64xf32, #tpu.memory_space<vmem>>, vector<16xf32>,
        tpu.vector_store %arg7[%swap3A_196, %swap3A_197], %mul3A_195 {strides = array<i32>} : memref<512x64xf32, #tpu.memory_space<vmem>>, vector<16xf32>,
        %scan3A_199 = arith.constant 0 : i32
        %scan3A_200 = arith.constant 3 : i32
        %scan3A_201 = arith.addi %scan3A_91, %scan3A_200 : i32
        %get3A_202 = arith.index_cast %scan3A_201 : i32 to index
        %get3A_203 = memref.load %arg9[%get3A_202] : memref<512xf32, #tpu.memory_space<smem>>
        %get3A_204 = arith.index_cast %scan3A_201 : i32 to index
        %get3A_205 = arith.constant 0 : index
        %get3A_206 = tpu.vector_load %arg7[%get3A_204, %get3A_205] {strides = array<i32>} : memref<512x64xf32, #tpu.memory_space<vmem>>, vector<16xf32>,
        %mul3A_207 = vector.broadcast %get3A_203 : f32 to vector<16xf32>
        %mul3A_208 = arith.mulf %get3A_206, %mul3A_207 : vector<16xf32>
        %swap3A_209 = arith.index_cast %scan3A_201 : i32 to index
        %swap3A_210 = arith.constant 0 : index
        %swap3A_211 = tpu.vector_load %arg7[%swap3A_209, %swap3A_210] {strides = array<i32>} : memref<512x64xf32, #tpu.memory_space<vmem>>, vector<16xf32>,
        tpu.vector_store %arg7[%swap3A_209, %swap3A_210], %mul3A_208 {strides = array<i32>} : memref<512x64xf32, #tpu.memory_space<vmem>>, vector<16xf32>,
        %get3A_212 = arith.index_cast %scan3A_201 : i32 to index
        %get3A_213 = arith.constant 16 : index
        %get3A_214 = tpu.vector_load %arg7[%get3A_212, %get3A_213] {strides = array<i32>} : memref<512x64xf32, #tpu.memory_space<vmem>>, vector<16xf32>,
        %mul3A_215 = vector.broadcast %get3A_203 : f32 to vector<16xf32>
        %mul3A_216 = arith.mulf %get3A_214, %mul3A_215 : vector<16xf32>
        %swap3A_217 = arith.index_cast %scan3A_201 : i32 to index
        %swap3A_218 = arith.constant 16 : index
        %swap3A_219 = tpu.vector_load %arg7[%swap3A_217, %swap3A_218] {strides = array<i32>} : memref<512x64xf32, #tpu.memory_space<vmem>>, vector<16xf32>,
        tpu.vector_store %arg7[%swap3A_217, %swap3A_218], %mul3A_216 {strides = array<i32>} : memref<512x64xf32, #tpu.memory_space<vmem>>, vector<16xf32>,
        %get3A_220 = arith.index_cast %scan3A_201 : i32 to index
        %get3A_221 = arith.constant 32 : index
        %get3A_222 = tpu.vector_load %arg7[%get3A_220, %get3A_221] {strides = array<i32>} : memref<512x64xf32, #tpu.memory_space<vmem>>, vector<16xf32>,
        %mul3A_223 = vector.broadcast %get3A_203 : f32 to vector<16xf32>
        %mul3A_224 = arith.mulf %get3A_222, %mul3A_223 : vector<16xf32>
        %swap3A_225 = arith.index_cast %scan3A_201 : i32 to index
        %swap3A_226 = arith.constant 32 : index
        %swap3A_227 = tpu.vector_load %arg7[%swap3A_225, %swap3A_226] {strides = array<i32>} : memref<512x64xf32, #tpu.memory_space<vmem>>, vector<16xf32>,
        tpu.vector_store %arg7[%swap3A_225, %swap3A_226], %mul3A_224 {strides = array<i32>} : memref<512x64xf32, #tpu.memory_space<vmem>>, vector<16xf32>,
        %get3A_228 = arith.index_cast %scan3A_201 : i32 to index
        %get3A_229 = arith.constant 48 : index
        %get3A_230 = tpu.vector_load %arg7[%get3A_228, %get3A_229] {strides = array<i32>} : memref<512x64xf32, #tpu.memory_space<vmem>>, vector<16xf32>,
        %mul3A_231 = vector.broadcast %get3A_203 : f32 to vector<16xf32>
        %mul3A_232 = arith.mulf %get3A_230, %mul3A_231 : vector<16xf32>
        %swap3A_233 = arith.index_cast %scan3A_201 : i32 to index
        %swap3A_234 = arith.constant 48 : index
        %swap3A_235 = tpu.vector_load %arg7[%swap3A_233, %swap3A_234] {strides = array<i32>} : memref<512x64xf32, #tpu.memory_space<vmem>>, vector<16xf32>,
        tpu.vector_store %arg7[%swap3A_233, %swap3A_234], %mul3A_232 {strides = array<i32>} : memref<512x64xf32, #tpu.memory_space<vmem>>, vector<16xf32>,
        %scan3A_236 = arith.constant 0 : i32
        scf.yield %scan3A_236 : i32
      }
      %scan3A_47 = arith.constant 512 : i32
      %dma_start3A_48 = arith.constant 0 : i32
      %dma_start3A_49 = tpu.memref_slice %arg4[%add3A_24, %dma_start3A_48] : memref<819200x64xf32, #tpu.memory_space<hbm>> -> memref<512x64xf32, #tpu.memory_space<hbm>>
      %dma_start3A_50 = arith.constant 0 : i32
      %dma_start3A_51 = tpu.memref_slice %arg4[%add3A_24, %dma_start3A_50] : memref<819200x64xf32, #tpu.memory_space<hbm>> -> memref<512x64xf32, #tpu.memory_space<hbm>>
      tpu.enqueue_dma source(%arg7 : memref<512x64xf32, #tpu.memory_space<vmem>>) target(%dma_start3A_51 : memref<512x64xf32, #tpu.memory_space<hbm>>) target_semaphore(%arg11 : memref<!tpu.dma_semaphore, #tpu.memory_space<semaphore_mem>>)
      %mul3A_52 = arith.constant 2 : i32
      %mul3A_53 = arith.muli %mul3A_52, %scan3A_16 : i32
      %add3A_54 = arith.constant 1 : i32
      %add3A_55 = arith.addi %mul3A_53, %add3A_54 : i32
      %mul3A_56 = arith.constant 512 : i32
      %mul3A_57 = arith.muli %add3A_55, %mul3A_56 : i32
      %add3A_58 = arith.addi %mul3A_2, %mul3A_57 : i32
      %ge3A_59 = arith.constant 1 : i32
      %ge3A_60 = arith.cmpi sge, %add3A_55, %ge3A_59 : i32
      %convert_element_type3A_61 = arith.extui %ge3A_60 : i1 to i32
      %cond3A_62 = arith.constant 0 : i32
      %cond3A_63 = arith.cmpi ne, %convert_element_type3A_61, %cond3A_62 : i32
      scf.if %cond3A_63 {
        %sub3A = arith.constant 512 : i32
        %sub3A_91 = arith.subi %add3A_58, %sub3A : i32
        %dma_wait3A_92 = arith.constant 0 : i32
        %dma_wait3A_93 = tpu.memref_slice %arg4[%sub3A_91, %dma_wait3A_92] : memref<819200x64xf32, #tpu.memory_space<hbm>> -> memref<512x64xf32, #tpu.memory_space<hbm>>
        %dma_wait3A_94 = arith.constant 0 : i32
        %dma_wait3A_95 = tpu.memref_slice %arg4[%sub3A_91, %dma_wait3A_94] : memref<819200x64xf32, #tpu.memory_space<hbm>> -> memref<512x64xf32, #tpu.memory_space<hbm>>
        tpu.wait_dma2 semaphore(%arg11 : memref<!tpu.dma_semaphore, #tpu.memory_space<semaphore_mem>>) src(%arg7 : memref<512x64xf32, #tpu.memory_space<vmem>>) dst(%dma_wait3A_95 : memref<512x64xf32, #tpu.memory_space<hbm>>)
      } else {
      }
      %lt3A_64 = arith.constant 49 : i32
      %lt3A_65 = arith.cmpi slt, %add3A_55, %lt3A_64 : i32
      %convert_element_type3A_66 = arith.extui %lt3A_65 : i1 to i32
      %cond3A_67 = arith.constant 0 : i32
      %cond3A_68 = arith.cmpi ne, %convert_element_type3A_66, %cond3A_67 : i32
      scf.if %cond3A_68 {
        %add3A_91 = arith.constant 512 : i32
        %add3A_92 = arith.addi %add3A_58, %add3A_91 : i32
        "tpu.region"() ({
          %run_scoped3A = tpu.sem_alloc : memref<!tpu.dma_semaphore, #tpu.memory_space<semaphore_mem>>
          %dma_start3A_96 = tpu.memref_slice %arg2[%add3A_92] : memref<819200xi32, #tpu.memory_space<hbm>> -> memref<512xi32, #tpu.memory_space<hbm>>
          %dma_start3A_97 = tpu.memref_slice %arg2[%add3A_92] : memref<819200xi32, #tpu.memory_space<hbm>> -> memref<512xi32, #tpu.memory_space<hbm>>
          tpu.enqueue_dma source(%dma_start3A_97 : memref<512xi32, #tpu.memory_space<hbm>>) target(%arg5 : memref<512xi32, #tpu.memory_space<vmem>>) target_semaphore(%run_scoped3A : memref<!tpu.dma_semaphore, #tpu.memory_space<semaphore_mem>>)
          %dma_wait3A_98 = tpu.memref_slice %arg2[%add3A_92] : memref<819200xi32, #tpu.memory_space<hbm>> -> memref<512xi32, #tpu.memory_space<hbm>>
          %dma_wait3A_99 = tpu.memref_slice %arg2[%add3A_92] : memref<819200xi32, #tpu.memory_space<hbm>> -> memref<512xi32, #tpu.memory_space<hbm>>
          tpu.wait_dma2 semaphore(%run_scoped3A : memref<!tpu.dma_semaphore, #tpu.memory_space<semaphore_mem>>) src(%dma_wait3A_99 : memref<512xi32, #tpu.memory_space<hbm>>) dst(%arg5 : memref<512xi32, #tpu.memory_space<vmem>>)
          tpu.yield
        }) : () -> ()
        %dma_start3A_93 = arith.constant 0 : i32
        %dma_start3A_94 = arith.constant 0 : i32
        %dma_start3A_95 = tpu.memref_slice %arg3[%dma_start3A_93, %dma_start3A_94] : memref<1000000x64xf32, #tpu.memory_space<hbm>> -> memref<1000000x64xf32, #tpu.memory_space<hbm>>
        tpu.enqueue_indirect_dma source(%dma_start3A_95 : memref<1000000x64xf32, #tpu.memory_space<hbm>>) target(%arg7 : memref<512x64xf32, #tpu.memory_space<vmem>>) offsets(%arg5 : memref<512xi32, #tpu.memory_space<vmem>>) semaphore(%arg10 : memref<!tpu.dma_semaphore, #tpu.memory_space<semaphore_mem>>)
      } else {
      }
      %dma_wait3A_69 = arith.constant 0 : i32
      %dma_wait3A_70 = arith.constant 0 : i32
      %dma_wait3A_71 = tpu.memref_slice %arg3[%dma_wait3A_69, %dma_wait3A_70] : memref<1000000x64xf32, #tpu.memory_space<hbm>> -> memref<1000000x64xf32, #tpu.memory_space<hbm>>
      tpu.wait_indirect_dma semaphore(%arg10 : memref<!tpu.dma_semaphore, #tpu.memory_space<semaphore_mem>>) src(%dma_wait3A_71 : memref<1000000x64xf32, #tpu.memory_space<hbm>>) dst(%arg8 : memref<512x64xf32, #tpu.memory_space<vmem>>)
      %scan3A_72 = arith.constant 0 : i32
      %scan3A_73 = arith.constant 0 : i32
      %scan3A_74 = arith.constant 512 : i32
      %scan3A_75 = arith.addi %scan3A_73, %scan3A_74 : i32
      %scan3A_76 = arith.constant 4 : i32
      %scan3A_77 = scf.for %scan3A_91 = %scan3A_73 to %scan3A_75 step %scan3A_76 iter_args(%scan3A_92 = %scan3A_72) -> (i32)  : i32 {
        %broadcast_in_dim3A = arith.constant 0.000000e+00 : f32
        %broadcast_in_dim3A_93 = vector.broadcast %broadcast_in_dim3A : f32 to vector<16xf32>
        %get3A = arith.index_cast %scan3A_91 : i32 to index
        %get3A_94 = arith.constant 0 : index
        %get3A_95 = tpu.vector_load %arg8[%get3A, %get3A_94] {strides = array<i32>} : memref<512x64xf32, #tpu.memory_space<vmem>>, vector<16xf32>,
        %mul3A_96 = arith.mulf %get3A_95, %get3A_95 : vector<16xf32>
        %add3A_97 = arith.addf %broadcast_in_dim3A_93, %mul3A_96 : vector<16xf32>
        %get3A_98 = arith.index_cast %scan3A_91 : i32 to index
        %get3A_99 = arith.constant 16 : index
        %get3A_100 = tpu.vector_load %arg8[%get3A_98, %get3A_99] {strides = array<i32>} : memref<512x64xf32, #tpu.memory_space<vmem>>, vector<16xf32>,
        %mul3A_101 = arith.mulf %get3A_100, %get3A_100 : vector<16xf32>
        %add3A_102 = arith.addf %add3A_97, %mul3A_101 : vector<16xf32>
        %get3A_103 = arith.index_cast %scan3A_91 : i32 to index
        %get3A_104 = arith.constant 32 : index
        %get3A_105 = tpu.vector_load %arg8[%get3A_103, %get3A_104] {strides = array<i32>} : memref<512x64xf32, #tpu.memory_space<vmem>>, vector<16xf32>,
        %mul3A_106 = arith.mulf %get3A_105, %get3A_105 : vector<16xf32>
        %add3A_107 = arith.addf %add3A_102, %mul3A_106 : vector<16xf32>
        %get3A_108 = arith.index_cast %scan3A_91 : i32 to index
        %get3A_109 = arith.constant 48 : index
        %get3A_110 = tpu.vector_load %arg8[%get3A_108, %get3A_109] {strides = array<i32>} : memref<512x64xf32, #tpu.memory_space<vmem>>, vector<16xf32>,
        %mul3A_111 = arith.mulf %get3A_110, %get3A_110 : vector<16xf32>
        %add3A_112 = arith.addf %add3A_107, %mul3A_111 : vector<16xf32>
        %reduce_sum3A = arith.constant true
        %reduce_sum3A_113 = vector.broadcast %reduce_sum3A : i1 to vector<16xi1>
        %reduce_sum3A_114 = tpu.scan <sum>, %add3A_112 masked %reduce_sum3A_113 : vector<16xf32>, vector<16xi1> -> vector<16xf32>
        %reduce_sum3A_115 = vector.extract %reduce_sum3A_114[15] : f32 from vector<16xf32>
        %bitcast_convert_type3A = arith.bitcast %reduce_sum3A_115 : f32 to i32
        %shift_right_arithmetic3A = arith.constant 1 : i32
        %shift_right_arithmetic3A_116 = arith.shrsi %bitcast_convert_type3A, %shift_right_arithmetic3A : i32
        %sub3A = arith.constant 1597463007 : i32
        %sub3A_117 = arith.subi %sub3A, %shift_right_arithmetic3A_116 : i32
        %bitcast_convert_type3A_118 = arith.bitcast %sub3A_117 : i32 to f32
        %mul3A_119 = arith.mulf %reduce_sum3A_115, %bitcast_convert_type3A_118 : f32
        %mul3A_120 = arith.constant 5.000000e-01 : f32
        %mul3A_121 = arith.mulf %mul3A_120, %mul3A_119 : f32
        %mul3A_122 = arith.mulf %mul3A_121, %bitcast_convert_type3A_118 : f32
        %sub3A_123 = arith.constant 1.500000e+00 : f32
        %sub3A_124 = arith.subf %sub3A_123, %mul3A_122 : f32
        %mul3A_125 = arith.mulf %bitcast_convert_type3A_118, %sub3A_124 : f32
        %mul3A_126 = arith.mulf %reduce_sum3A_115, %mul3A_125 : f32
        %mul3A_127 = arith.constant 5.000000e-01 : f32
        %mul3A_128 = arith.mulf %mul3A_127, %mul3A_126 : f32
        %mul3A_129 = arith.mulf %mul3A_128, %mul3A_125 : f32
        %sub3A_130 = arith.constant 1.500000e+00 : f32
        %sub3A_131 = arith.subf %sub3A_130, %mul3A_129 : f32
        %mul3A_132 = arith.mulf %mul3A_125, %sub3A_131 : f32
        %mul3A_133 = arith.mulf %reduce_sum3A_115, %mul3A_132 : f32
        %mul3A_134 = arith.constant 1.001001 : f32
        %mul3A_135 = arith.mulf %mul3A_133, %mul3A_134 : f32
        %min3A = arith.constant 1.000000e+00 : f32
        %min3A_136 = arith.minimumf %mul3A_135, %min3A : f32
        %add3A_137 = arith.constant 9.99999993E-9 : f32
        %add3A_138 = arith.addf %min3A_136, %add3A_137 : f32
        %bitcast_convert_type3A_139 = arith.bitcast %add3A_138 : f32 to i32
        %sub3A_140 = arith.constant 2129733610 : i32
        %sub3A_141 = arith.subi %sub3A_140, %bitcast_convert_type3A_139 : i32
        %bitcast_convert_type3A_142 = arith.bitcast %sub3A_141 : i32 to f32
        %mul3A_143 = arith.mulf %add3A_138, %bitcast_convert_type3A_142 : f32
        %sub3A_144 = arith.constant 2.000000e+00 : f32
        %sub3A_145 = arith.subf %sub3A_144, %mul3A_143 : f32
        %mul3A_146 = arith.mulf %bitcast_convert_type3A_142, %sub3A_145 : f32
        %mul3A_147 = arith.mulf %add3A_138, %mul3A_146 : f32
        %sub3A_148 = arith.constant 2.000000e+00 : f32
        %sub3A_149 = arith.subf %sub3A_148, %mul3A_147 : f32
        %mul3A_150 = arith.mulf %mul3A_146, %sub3A_149 : f32
        %swap3A = arith.index_cast %scan3A_91 : i32 to index
        %swap3A_151 = memref.load %arg9[%swap3A] : memref<512xf32, #tpu.memory_space<smem>>
        memref.store %mul3A_150, %arg9[%swap3A] : memref<512xf32, #tpu.memory_space<smem>>
        %scan3A_152 = arith.constant 0 : i32
        %scan3A_153 = arith.constant 1 : i32
        %scan3A_154 = arith.addi %scan3A_91, %scan3A_153 : i32
        %broadcast_in_dim3A_155 = arith.constant 0.000000e+00 : f32
        %broadcast_in_dim3A_156 = vector.broadcast %broadcast_in_dim3A_155 : f32 to vector<16xf32>
        %get3A_157 = arith.index_cast %scan3A_154 : i32 to index
        %get3A_158 = arith.constant 0 : index
        %get3A_159 = tpu.vector_load %arg8[%get3A_157, %get3A_158] {strides = array<i32>} : memref<512x64xf32, #tpu.memory_space<vmem>>, vector<16xf32>,
        %mul3A_160 = arith.mulf %get3A_159, %get3A_159 : vector<16xf32>
        %add3A_161 = arith.addf %broadcast_in_dim3A_156, %mul3A_160 : vector<16xf32>
        %get3A_162 = arith.index_cast %scan3A_154 : i32 to index
        %get3A_163 = arith.constant 16 : index
        %get3A_164 = tpu.vector_load %arg8[%get3A_162, %get3A_163] {strides = array<i32>} : memref<512x64xf32, #tpu.memory_space<vmem>>, vector<16xf32>,
        %mul3A_165 = arith.mulf %get3A_164, %get3A_164 : vector<16xf32>
        %add3A_166 = arith.addf %add3A_161, %mul3A_165 : vector<16xf32>
        %get3A_167 = arith.index_cast %scan3A_154 : i32 to index
        %get3A_168 = arith.constant 32 : index
        %get3A_169 = tpu.vector_load %arg8[%get3A_167, %get3A_168] {strides = array<i32>} : memref<512x64xf32, #tpu.memory_space<vmem>>, vector<16xf32>,
        %mul3A_170 = arith.mulf %get3A_169, %get3A_169 : vector<16xf32>
        %add3A_171 = arith.addf %add3A_166, %mul3A_170 : vector<16xf32>
        %get3A_172 = arith.index_cast %scan3A_154 : i32 to index
        %get3A_173 = arith.constant 48 : index
        %get3A_174 = tpu.vector_load %arg8[%get3A_172, %get3A_173] {strides = array<i32>} : memref<512x64xf32, #tpu.memory_space<vmem>>, vector<16xf32>,
        %mul3A_175 = arith.mulf %get3A_174, %get3A_174 : vector<16xf32>
        %add3A_176 = arith.addf %add3A_171, %mul3A_175 : vector<16xf32>
        %reduce_sum3A_177 = arith.constant true
        %reduce_sum3A_178 = vector.broadcast %reduce_sum3A_177 : i1 to vector<16xi1>
        %reduce_sum3A_179 = tpu.scan <sum>, %add3A_176 masked %reduce_sum3A_178 : vector<16xf32>, vector<16xi1> -> vector<16xf32>
        %reduce_sum3A_180 = vector.extract %reduce_sum3A_179[15] : f32 from vector<16xf32>
        %bitcast_convert_type3A_181 = arith.bitcast %reduce_sum3A_180 : f32 to i32
        %shift_right_arithmetic3A_182 = arith.constant 1 : i32
        %shift_right_arithmetic3A_183 = arith.shrsi %bitcast_convert_type3A_181, %shift_right_arithmetic3A_182 : i32
        %sub3A_184 = arith.constant 1597463007 : i32
        %sub3A_185 = arith.subi %sub3A_184, %shift_right_arithmetic3A_183 : i32
        %bitcast_convert_type3A_186 = arith.bitcast %sub3A_185 : i32 to f32
        %mul3A_187 = arith.mulf %reduce_sum3A_180, %bitcast_convert_type3A_186 : f32
        %mul3A_188 = arith.constant 5.000000e-01 : f32
        %mul3A_189 = arith.mulf %mul3A_188, %mul3A_187 : f32
        %mul3A_190 = arith.mulf %mul3A_189, %bitcast_convert_type3A_186 : f32
        %sub3A_191 = arith.constant 1.500000e+00 : f32
        %sub3A_192 = arith.subf %sub3A_191, %mul3A_190 : f32
        %mul3A_193 = arith.mulf %bitcast_convert_type3A_186, %sub3A_192 : f32
        %mul3A_194 = arith.mulf %reduce_sum3A_180, %mul3A_193 : f32
        %mul3A_195 = arith.constant 5.000000e-01 : f32
        %mul3A_196 = arith.mulf %mul3A_195, %mul3A_194 : f32
        %mul3A_197 = arith.mulf %mul3A_196, %mul3A_193 : f32
        %sub3A_198 = arith.constant 1.500000e+00 : f32
        %sub3A_199 = arith.subf %sub3A_198, %mul3A_197 : f32
        %mul3A_200 = arith.mulf %mul3A_193, %sub3A_199 : f32
        %mul3A_201 = arith.mulf %reduce_sum3A_180, %mul3A_200 : f32
        %mul3A_202 = arith.constant 1.001001 : f32
        %mul3A_203 = arith.mulf %mul3A_201, %mul3A_202 : f32
        %min3A_204 = arith.constant 1.000000e+00 : f32
        %min3A_205 = arith.minimumf %mul3A_203, %min3A_204 : f32
        %add3A_206 = arith.constant 9.99999993E-9 : f32
        %add3A_207 = arith.addf %min3A_205, %add3A_206 : f32
        %bitcast_convert_type3A_208 = arith.bitcast %add3A_207 : f32 to i32
        %sub3A_209 = arith.constant 2129733610 : i32
        %sub3A_210 = arith.subi %sub3A_209, %bitcast_convert_type3A_208 : i32
        %bitcast_convert_type3A_211 = arith.bitcast %sub3A_210 : i32 to f32
        %mul3A_212 = arith.mulf %add3A_207, %bitcast_convert_type3A_211 : f32
        %sub3A_213 = arith.constant 2.000000e+00 : f32
        %sub3A_214 = arith.subf %sub3A_213, %mul3A_212 : f32
        %mul3A_215 = arith.mulf %bitcast_convert_type3A_211, %sub3A_214 : f32
        %mul3A_216 = arith.mulf %add3A_207, %mul3A_215 : f32
        %sub3A_217 = arith.constant 2.000000e+00 : f32
        %sub3A_218 = arith.subf %sub3A_217, %mul3A_216 : f32
        %mul3A_219 = arith.mulf %mul3A_215, %sub3A_218 : f32
        %swap3A_220 = arith.index_cast %scan3A_154 : i32 to index
        %swap3A_221 = memref.load %arg9[%swap3A_220] : memref<512xf32, #tpu.memory_space<smem>>
        memref.store %mul3A_219, %arg9[%swap3A_220] : memref<512xf32, #tpu.memory_space<smem>>
        %scan3A_222 = arith.constant 0 : i32
        %scan3A_223 = arith.constant 2 : i32
        %scan3A_224 = arith.addi %scan3A_91, %scan3A_223 : i32
        %broadcast_in_dim3A_225 = arith.constant 0.000000e+00 : f32
        %broadcast_in_dim3A_226 = vector.broadcast %broadcast_in_dim3A_225 : f32 to vector<16xf32>
        %get3A_227 = arith.index_cast %scan3A_224 : i32 to index
        %get3A_228 = arith.constant 0 : index
        %get3A_229 = tpu.vector_load %arg8[%get3A_227, %get3A_228] {strides = array<i32>} : memref<512x64xf32, #tpu.memory_space<vmem>>, vector<16xf32>,
        %mul3A_230 = arith.mulf %get3A_229, %get3A_229 : vector<16xf32>
        %add3A_231 = arith.addf %broadcast_in_dim3A_226, %mul3A_230 : vector<16xf32>
        %get3A_232 = arith.index_cast %scan3A_224 : i32 to index
        %get3A_233 = arith.constant 16 : index
        %get3A_234 = tpu.vector_load %arg8[%get3A_232, %get3A_233] {strides = array<i32>} : memref<512x64xf32, #tpu.memory_space<vmem>>, vector<16xf32>,
        %mul3A_235 = arith.mulf %get3A_234, %get3A_234 : vector<16xf32>
        %add3A_236 = arith.addf %add3A_231, %mul3A_235 : vector<16xf32>
        %get3A_237 = arith.index_cast %scan3A_224 : i32 to index
        %get3A_238 = arith.constant 32 : index
        %get3A_239 = tpu.vector_load %arg8[%get3A_237, %get3A_238] {strides = array<i32>} : memref<512x64xf32, #tpu.memory_space<vmem>>, vector<16xf32>,
        %mul3A_240 = arith.mulf %get3A_239, %get3A_239 : vector<16xf32>
        %add3A_241 = arith.addf %add3A_236, %mul3A_240 : vector<16xf32>
        %get3A_242 = arith.index_cast %scan3A_224 : i32 to index
        %get3A_243 = arith.constant 48 : index
        %get3A_244 = tpu.vector_load %arg8[%get3A_242, %get3A_243] {strides = array<i32>} : memref<512x64xf32, #tpu.memory_space<vmem>>, vector<16xf32>,
        %mul3A_245 = arith.mulf %get3A_244, %get3A_244 : vector<16xf32>
        %add3A_246 = arith.addf %add3A_241, %mul3A_245 : vector<16xf32>
        %reduce_sum3A_247 = arith.constant true
        %reduce_sum3A_248 = vector.broadcast %reduce_sum3A_247 : i1 to vector<16xi1>
        %reduce_sum3A_249 = tpu.scan <sum>, %add3A_246 masked %reduce_sum3A_248 : vector<16xf32>, vector<16xi1> -> vector<16xf32>
        %reduce_sum3A_250 = vector.extract %reduce_sum3A_249[15] : f32 from vector<16xf32>
        %bitcast_convert_type3A_251 = arith.bitcast %reduce_sum3A_250 : f32 to i32
        %shift_right_arithmetic3A_252 = arith.constant 1 : i32
        %shift_right_arithmetic3A_253 = arith.shrsi %bitcast_convert_type3A_251, %shift_right_arithmetic3A_252 : i32
        %sub3A_254 = arith.constant 1597463007 : i32
        %sub3A_255 = arith.subi %sub3A_254, %shift_right_arithmetic3A_253 : i32
        %bitcast_convert_type3A_256 = arith.bitcast %sub3A_255 : i32 to f32
        %mul3A_257 = arith.mulf %reduce_sum3A_250, %bitcast_convert_type3A_256 : f32
        %mul3A_258 = arith.constant 5.000000e-01 : f32
        %mul3A_259 = arith.mulf %mul3A_258, %mul3A_257 : f32
        %mul3A_260 = arith.mulf %mul3A_259, %bitcast_convert_type3A_256 : f32
        %sub3A_261 = arith.constant 1.500000e+00 : f32
        %sub3A_262 = arith.subf %sub3A_261, %mul3A_260 : f32
        %mul3A_263 = arith.mulf %bitcast_convert_type3A_256, %sub3A_262 : f32
        %mul3A_264 = arith.mulf %reduce_sum3A_250, %mul3A_263 : f32
        %mul3A_265 = arith.constant 5.000000e-01 : f32
        %mul3A_266 = arith.mulf %mul3A_265, %mul3A_264 : f32
        %mul3A_267 = arith.mulf %mul3A_266, %mul3A_263 : f32
        %sub3A_268 = arith.constant 1.500000e+00 : f32
        %sub3A_269 = arith.subf %sub3A_268, %mul3A_267 : f32
        %mul3A_270 = arith.mulf %mul3A_263, %sub3A_269 : f32
        %mul3A_271 = arith.mulf %reduce_sum3A_250, %mul3A_270 : f32
        %mul3A_272 = arith.constant 1.001001 : f32
        %mul3A_273 = arith.mulf %mul3A_271, %mul3A_272 : f32
        %min3A_274 = arith.constant 1.000000e+00 : f32
        %min3A_275 = arith.minimumf %mul3A_273, %min3A_274 : f32
        %add3A_276 = arith.constant 9.99999993E-9 : f32
        %add3A_277 = arith.addf %min3A_275, %add3A_276 : f32
        %bitcast_convert_type3A_278 = arith.bitcast %add3A_277 : f32 to i32
        %sub3A_279 = arith.constant 2129733610 : i32
        %sub3A_280 = arith.subi %sub3A_279, %bitcast_convert_type3A_278 : i32
        %bitcast_convert_type3A_281 = arith.bitcast %sub3A_280 : i32 to f32
        %mul3A_282 = arith.mulf %add3A_277, %bitcast_convert_type3A_281 : f32
        %sub3A_283 = arith.constant 2.000000e+00 : f32
        %sub3A_284 = arith.subf %sub3A_283, %mul3A_282 : f32
        %mul3A_285 = arith.mulf %bitcast_convert_type3A_281, %sub3A_284 : f32
        %mul3A_286 = arith.mulf %add3A_277, %mul3A_285 : f32
        %sub3A_287 = arith.constant 2.000000e+00 : f32
        %sub3A_288 = arith.subf %sub3A_287, %mul3A_286 : f32
        %mul3A_289 = arith.mulf %mul3A_285, %sub3A_288 : f32
        %swap3A_290 = arith.index_cast %scan3A_224 : i32 to index
        %swap3A_291 = memref.load %arg9[%swap3A_290] : memref<512xf32, #tpu.memory_space<smem>>
        memref.store %mul3A_289, %arg9[%swap3A_290] : memref<512xf32, #tpu.memory_space<smem>>
        %scan3A_292 = arith.constant 0 : i32
        %scan3A_293 = arith.constant 3 : i32
        %scan3A_294 = arith.addi %scan3A_91, %scan3A_293 : i32
        %broadcast_in_dim3A_295 = arith.constant 0.000000e+00 : f32
        %broadcast_in_dim3A_296 = vector.broadcast %broadcast_in_dim3A_295 : f32 to vector<16xf32>
        %get3A_297 = arith.index_cast %scan3A_294 : i32 to index
        %get3A_298 = arith.constant 0 : index
        %get3A_299 = tpu.vector_load %arg8[%get3A_297, %get3A_298] {strides = array<i32>} : memref<512x64xf32, #tpu.memory_space<vmem>>, vector<16xf32>,
        %mul3A_300 = arith.mulf %get3A_299, %get3A_299 : vector<16xf32>
        %add3A_301 = arith.addf %broadcast_in_dim3A_296, %mul3A_300 : vector<16xf32>
        %get3A_302 = arith.index_cast %scan3A_294 : i32 to index
        %get3A_303 = arith.constant 16 : index
        %get3A_304 = tpu.vector_load %arg8[%get3A_302, %get3A_303] {strides = array<i32>} : memref<512x64xf32, #tpu.memory_space<vmem>>, vector<16xf32>,
        %mul3A_305 = arith.mulf %get3A_304, %get3A_304 : vector<16xf32>
        %add3A_306 = arith.addf %add3A_301, %mul3A_305 : vector<16xf32>
        %get3A_307 = arith.index_cast %scan3A_294 : i32 to index
        %get3A_308 = arith.constant 32 : index
        %get3A_309 = tpu.vector_load %arg8[%get3A_307, %get3A_308] {strides = array<i32>} : memref<512x64xf32, #tpu.memory_space<vmem>>, vector<16xf32>,
        %mul3A_310 = arith.mulf %get3A_309, %get3A_309 : vector<16xf32>
        %add3A_311 = arith.addf %add3A_306, %mul3A_310 : vector<16xf32>
        %get3A_312 = arith.index_cast %scan3A_294 : i32 to index
        %get3A_313 = arith.constant 48 : index
        %get3A_314 = tpu.vector_load %arg8[%get3A_312, %get3A_313] {strides = array<i32>} : memref<512x64xf32, #tpu.memory_space<vmem>>, vector<16xf32>,
        %mul3A_315 = arith.mulf %get3A_314, %get3A_314 : vector<16xf32>
        %add3A_316 = arith.addf %add3A_311, %mul3A_315 : vector<16xf32>
        %reduce_sum3A_317 = arith.constant true
        %reduce_sum3A_318 = vector.broadcast %reduce_sum3A_317 : i1 to vector<16xi1>
        %reduce_sum3A_319 = tpu.scan <sum>, %add3A_316 masked %reduce_sum3A_318 : vector<16xf32>, vector<16xi1> -> vector<16xf32>
        %reduce_sum3A_320 = vector.extract %reduce_sum3A_319[15] : f32 from vector<16xf32>
        %bitcast_convert_type3A_321 = arith.bitcast %reduce_sum3A_320 : f32 to i32
        %shift_right_arithmetic3A_322 = arith.constant 1 : i32
        %shift_right_arithmetic3A_323 = arith.shrsi %bitcast_convert_type3A_321, %shift_right_arithmetic3A_322 : i32
        %sub3A_324 = arith.constant 1597463007 : i32
        %sub3A_325 = arith.subi %sub3A_324, %shift_right_arithmetic3A_323 : i32
        %bitcast_convert_type3A_326 = arith.bitcast %sub3A_325 : i32 to f32
        %mul3A_327 = arith.mulf %reduce_sum3A_320, %bitcast_convert_type3A_326 : f32
        %mul3A_328 = arith.constant 5.000000e-01 : f32
        %mul3A_329 = arith.mulf %mul3A_328, %mul3A_327 : f32
        %mul3A_330 = arith.mulf %mul3A_329, %bitcast_convert_type3A_326 : f32
        %sub3A_331 = arith.constant 1.500000e+00 : f32
        %sub3A_332 = arith.subf %sub3A_331, %mul3A_330 : f32
        %mul3A_333 = arith.mulf %bitcast_convert_type3A_326, %sub3A_332 : f32
        %mul3A_334 = arith.mulf %reduce_sum3A_320, %mul3A_333 : f32
        %mul3A_335 = arith.constant 5.000000e-01 : f32
        %mul3A_336 = arith.mulf %mul3A_335, %mul3A_334 : f32
        %mul3A_337 = arith.mulf %mul3A_336, %mul3A_333 : f32
        %sub3A_338 = arith.constant 1.500000e+00 : f32
        %sub3A_339 = arith.subf %sub3A_338, %mul3A_337 : f32
        %mul3A_340 = arith.mulf %mul3A_333, %sub3A_339 : f32
        %mul3A_341 = arith.mulf %reduce_sum3A_320, %mul3A_340 : f32
        %mul3A_342 = arith.constant 1.001001 : f32
        %mul3A_343 = arith.mulf %mul3A_341, %mul3A_342 : f32
        %min3A_344 = arith.constant 1.000000e+00 : f32
        %min3A_345 = arith.minimumf %mul3A_343, %min3A_344 : f32
        %add3A_346 = arith.constant 9.99999993E-9 : f32
        %add3A_347 = arith.addf %min3A_345, %add3A_346 : f32
        %bitcast_convert_type3A_348 = arith.bitcast %add3A_347 : f32 to i32
        %sub3A_349 = arith.constant 2129733610 : i32
        %sub3A_350 = arith.subi %sub3A_349, %bitcast_convert_type3A_348 : i32
        %bitcast_convert_type3A_351 = arith.bitcast %sub3A_350 : i32 to f32
        %mul3A_352 = arith.mulf %add3A_347, %bitcast_convert_type3A_351 : f32
        %sub3A_353 = arith.constant 2.000000e+00 : f32
        %sub3A_354 = arith.subf %sub3A_353, %mul3A_352 : f32
        %mul3A_355 = arith.mulf %bitcast_convert_type3A_351, %sub3A_354 : f32
        %mul3A_356 = arith.mulf %add3A_347, %mul3A_355 : f32
        %sub3A_357 = arith.constant 2.000000e+00 : f32
        %sub3A_358 = arith.subf %sub3A_357, %mul3A_356 : f32
        %mul3A_359 = arith.mulf %mul3A_355, %sub3A_358 : f32
        %swap3A_360 = arith.index_cast %scan3A_294 : i32 to index
        %swap3A_361 = memref.load %arg9[%swap3A_360] : memref<512xf32, #tpu.memory_space<smem>>
        memref.store %mul3A_359, %arg9[%swap3A_360] : memref<512xf32, #tpu.memory_space<smem>>
        %scan3A_362 = arith.constant 0 : i32
        scf.yield %scan3A_362 : i32
      }
      %scan3A_78 = arith.constant 512 : i32
      %scan3A_79 = arith.constant 0 : i32
      %scan3A_80 = arith.constant 0 : i32
      %scan3A_81 = arith.constant 512 : i32
      %scan3A_82 = arith.addi %scan3A_80, %scan3A_81 : i32
      %scan3A_83 = arith.constant 4 : i32
      %scan3A_84 = scf.for %scan3A_91 = %scan3A_80 to %scan3A_82 step %scan3A_83 iter_args(%scan3A_92 = %scan3A_79) -> (i32)  : i32 {
        %get3A = arith.index_cast %scan3A_91 : i32 to index
        %get3A_93 = memref.load %arg9[%get3A] : memref<512xf32, #tpu.memory_space<smem>>
        %get3A_94 = arith.index_cast %scan3A_91 : i32 to index
        %get3A_95 = arith.constant 0 : index
        %get3A_96 = tpu.vector_load %arg8[%get3A_94, %get3A_95] {strides = array<i32>} : memref<512x64xf32, #tpu.memory_space<vmem>>, vector<16xf32>,
        %mul3A_97 = vector.broadcast %get3A_93 : f32 to vector<16xf32>
        %mul3A_98 = arith.mulf %get3A_96, %mul3A_97 : vector<16xf32>
        %swap3A = arith.index_cast %scan3A_91 : i32 to index
        %swap3A_99 = arith.constant 0 : index
        %swap3A_100 = tpu.vector_load %arg8[%swap3A, %swap3A_99] {strides = array<i32>} : memref<512x64xf32, #tpu.memory_space<vmem>>, vector<16xf32>,
        tpu.vector_store %arg8[%swap3A, %swap3A_99], %mul3A_98 {strides = array<i32>} : memref<512x64xf32, #tpu.memory_space<vmem>>, vector<16xf32>,
        %get3A_101 = arith.index_cast %scan3A_91 : i32 to index
        %get3A_102 = arith.constant 16 : index
        %get3A_103 = tpu.vector_load %arg8[%get3A_101, %get3A_102] {strides = array<i32>} : memref<512x64xf32, #tpu.memory_space<vmem>>, vector<16xf32>,
        %mul3A_104 = vector.broadcast %get3A_93 : f32 to vector<16xf32>
        %mul3A_105 = arith.mulf %get3A_103, %mul3A_104 : vector<16xf32>
        %swap3A_106 = arith.index_cast %scan3A_91 : i32 to index
        %swap3A_107 = arith.constant 16 : index
        %swap3A_108 = tpu.vector_load %arg8[%swap3A_106, %swap3A_107] {strides = array<i32>} : memref<512x64xf32, #tpu.memory_space<vmem>>, vector<16xf32>,
        tpu.vector_store %arg8[%swap3A_106, %swap3A_107], %mul3A_105 {strides = array<i32>} : memref<512x64xf32, #tpu.memory_space<vmem>>, vector<16xf32>,
        %get3A_109 = arith.index_cast %scan3A_91 : i32 to index
        %get3A_110 = arith.constant 32 : index
        %get3A_111 = tpu.vector_load %arg8[%get3A_109, %get3A_110] {strides = array<i32>} : memref<512x64xf32, #tpu.memory_space<vmem>>, vector<16xf32>,
        %mul3A_112 = vector.broadcast %get3A_93 : f32 to vector<16xf32>
        %mul3A_113 = arith.mulf %get3A_111, %mul3A_112 : vector<16xf32>
        %swap3A_114 = arith.index_cast %scan3A_91 : i32 to index
        %swap3A_115 = arith.constant 32 : index
        %swap3A_116 = tpu.vector_load %arg8[%swap3A_114, %swap3A_115] {strides = array<i32>} : memref<512x64xf32, #tpu.memory_space<vmem>>, vector<16xf32>,
        tpu.vector_store %arg8[%swap3A_114, %swap3A_115], %mul3A_113 {strides = array<i32>} : memref<512x64xf32, #tpu.memory_space<vmem>>, vector<16xf32>,
        %get3A_117 = arith.index_cast %scan3A_91 : i32 to index
        %get3A_118 = arith.constant 48 : index
        %get3A_119 = tpu.vector_load %arg8[%get3A_117, %get3A_118] {strides = array<i32>} : memref<512x64xf32, #tpu.memory_space<vmem>>, vector<16xf32>,
        %mul3A_120 = vector.broadcast %get3A_93 : f32 to vector<16xf32>
        %mul3A_121 = arith.mulf %get3A_119, %mul3A_120 : vector<16xf32>
        %swap3A_122 = arith.index_cast %scan3A_91 : i32 to index
        %swap3A_123 = arith.constant 48 : index
        %swap3A_124 = tpu.vector_load %arg8[%swap3A_122, %swap3A_123] {strides = array<i32>} : memref<512x64xf32, #tpu.memory_space<vmem>>, vector<16xf32>,
        tpu.vector_store %arg8[%swap3A_122, %swap3A_123], %mul3A_121 {strides = array<i32>} : memref<512x64xf32, #tpu.memory_space<vmem>>, vector<16xf32>,
        %scan3A_125 = arith.constant 0 : i32
        %scan3A_126 = arith.constant 1 : i32
        %scan3A_127 = arith.addi %scan3A_91, %scan3A_126 : i32
        %get3A_128 = arith.index_cast %scan3A_127 : i32 to index
        %get3A_129 = memref.load %arg9[%get3A_128] : memref<512xf32, #tpu.memory_space<smem>>
        %get3A_130 = arith.index_cast %scan3A_127 : i32 to index
        %get3A_131 = arith.constant 0 : index
        %get3A_132 = tpu.vector_load %arg8[%get3A_130, %get3A_131] {strides = array<i32>} : memref<512x64xf32, #tpu.memory_space<vmem>>, vector<16xf32>,
        %mul3A_133 = vector.broadcast %get3A_129 : f32 to vector<16xf32>
        %mul3A_134 = arith.mulf %get3A_132, %mul3A_133 : vector<16xf32>
        %swap3A_135 = arith.index_cast %scan3A_127 : i32 to index
        %swap3A_136 = arith.constant 0 : index
        %swap3A_137 = tpu.vector_load %arg8[%swap3A_135, %swap3A_136] {strides = array<i32>} : memref<512x64xf32, #tpu.memory_space<vmem>>, vector<16xf32>,
        tpu.vector_store %arg8[%swap3A_135, %swap3A_136], %mul3A_134 {strides = array<i32>} : memref<512x64xf32, #tpu.memory_space<vmem>>, vector<16xf32>,
        %get3A_138 = arith.index_cast %scan3A_127 : i32 to index
        %get3A_139 = arith.constant 16 : index
        %get3A_140 = tpu.vector_load %arg8[%get3A_138, %get3A_139] {strides = array<i32>} : memref<512x64xf32, #tpu.memory_space<vmem>>, vector<16xf32>,
        %mul3A_141 = vector.broadcast %get3A_129 : f32 to vector<16xf32>
        %mul3A_142 = arith.mulf %get3A_140, %mul3A_141 : vector<16xf32>
        %swap3A_143 = arith.index_cast %scan3A_127 : i32 to index
        %swap3A_144 = arith.constant 16 : index
        %swap3A_145 = tpu.vector_load %arg8[%swap3A_143, %swap3A_144] {strides = array<i32>} : memref<512x64xf32, #tpu.memory_space<vmem>>, vector<16xf32>,
        tpu.vector_store %arg8[%swap3A_143, %swap3A_144], %mul3A_142 {strides = array<i32>} : memref<512x64xf32, #tpu.memory_space<vmem>>, vector<16xf32>,
        %get3A_146 = arith.index_cast %scan3A_127 : i32 to index
        %get3A_147 = arith.constant 32 : index
        %get3A_148 = tpu.vector_load %arg8[%get3A_146, %get3A_147] {strides = array<i32>} : memref<512x64xf32, #tpu.memory_space<vmem>>, vector<16xf32>,
        %mul3A_149 = vector.broadcast %get3A_129 : f32 to vector<16xf32>
        %mul3A_150 = arith.mulf %get3A_148, %mul3A_149 : vector<16xf32>
        %swap3A_151 = arith.index_cast %scan3A_127 : i32 to index
        %swap3A_152 = arith.constant 32 : index
        %swap3A_153 = tpu.vector_load %arg8[%swap3A_151, %swap3A_152] {strides = array<i32>} : memref<512x64xf32, #tpu.memory_space<vmem>>, vector<16xf32>,
        tpu.vector_store %arg8[%swap3A_151, %swap3A_152], %mul3A_150 {strides = array<i32>} : memref<512x64xf32, #tpu.memory_space<vmem>>, vector<16xf32>,
        %get3A_154 = arith.index_cast %scan3A_127 : i32 to index
        %get3A_155 = arith.constant 48 : index
        %get3A_156 = tpu.vector_load %arg8[%get3A_154, %get3A_155] {strides = array<i32>} : memref<512x64xf32, #tpu.memory_space<vmem>>, vector<16xf32>,
        %mul3A_157 = vector.broadcast %get3A_129 : f32 to vector<16xf32>
        %mul3A_158 = arith.mulf %get3A_156, %mul3A_157 : vector<16xf32>
        %swap3A_159 = arith.index_cast %scan3A_127 : i32 to index
        %swap3A_160 = arith.constant 48 : index
        %swap3A_161 = tpu.vector_load %arg8[%swap3A_159, %swap3A_160] {strides = array<i32>} : memref<512x64xf32, #tpu.memory_space<vmem>>, vector<16xf32>,
        tpu.vector_store %arg8[%swap3A_159, %swap3A_160], %mul3A_158 {strides = array<i32>} : memref<512x64xf32, #tpu.memory_space<vmem>>, vector<16xf32>,
        %scan3A_162 = arith.constant 0 : i32
        %scan3A_163 = arith.constant 2 : i32
        %scan3A_164 = arith.addi %scan3A_91, %scan3A_163 : i32
        %get3A_165 = arith.index_cast %scan3A_164 : i32 to index
        %get3A_166 = memref.load %arg9[%get3A_165] : memref<512xf32, #tpu.memory_space<smem>>
        %get3A_167 = arith.index_cast %scan3A_164 : i32 to index
        %get3A_168 = arith.constant 0 : index
        %get3A_169 = tpu.vector_load %arg8[%get3A_167, %get3A_168] {strides = array<i32>} : memref<512x64xf32, #tpu.memory_space<vmem>>, vector<16xf32>,
        %mul3A_170 = vector.broadcast %get3A_166 : f32 to vector<16xf32>
        %mul3A_171 = arith.mulf %get3A_169, %mul3A_170 : vector<16xf32>
        %swap3A_172 = arith.index_cast %scan3A_164 : i32 to index
        %swap3A_173 = arith.constant 0 : index
        %swap3A_174 = tpu.vector_load %arg8[%swap3A_172, %swap3A_173] {strides = array<i32>} : memref<512x64xf32, #tpu.memory_space<vmem>>, vector<16xf32>,
        tpu.vector_store %arg8[%swap3A_172, %swap3A_173], %mul3A_171 {strides = array<i32>} : memref<512x64xf32, #tpu.memory_space<vmem>>, vector<16xf32>,
        %get3A_175 = arith.index_cast %scan3A_164 : i32 to index
        %get3A_176 = arith.constant 16 : index
        %get3A_177 = tpu.vector_load %arg8[%get3A_175, %get3A_176] {strides = array<i32>} : memref<512x64xf32, #tpu.memory_space<vmem>>, vector<16xf32>,
        %mul3A_178 = vector.broadcast %get3A_166 : f32 to vector<16xf32>
        %mul3A_179 = arith.mulf %get3A_177, %mul3A_178 : vector<16xf32>
        %swap3A_180 = arith.index_cast %scan3A_164 : i32 to index
        %swap3A_181 = arith.constant 16 : index
        %swap3A_182 = tpu.vector_load %arg8[%swap3A_180, %swap3A_181] {strides = array<i32>} : memref<512x64xf32, #tpu.memory_space<vmem>>, vector<16xf32>,
        tpu.vector_store %arg8[%swap3A_180, %swap3A_181], %mul3A_179 {strides = array<i32>} : memref<512x64xf32, #tpu.memory_space<vmem>>, vector<16xf32>,
        %get3A_183 = arith.index_cast %scan3A_164 : i32 to index
        %get3A_184 = arith.constant 32 : index
        %get3A_185 = tpu.vector_load %arg8[%get3A_183, %get3A_184] {strides = array<i32>} : memref<512x64xf32, #tpu.memory_space<vmem>>, vector<16xf32>,
        %mul3A_186 = vector.broadcast %get3A_166 : f32 to vector<16xf32>
        %mul3A_187 = arith.mulf %get3A_185, %mul3A_186 : vector<16xf32>
        %swap3A_188 = arith.index_cast %scan3A_164 : i32 to index
        %swap3A_189 = arith.constant 32 : index
        %swap3A_190 = tpu.vector_load %arg8[%swap3A_188, %swap3A_189] {strides = array<i32>} : memref<512x64xf32, #tpu.memory_space<vmem>>, vector<16xf32>,
        tpu.vector_store %arg8[%swap3A_188, %swap3A_189], %mul3A_187 {strides = array<i32>} : memref<512x64xf32, #tpu.memory_space<vmem>>, vector<16xf32>,
        %get3A_191 = arith.index_cast %scan3A_164 : i32 to index
        %get3A_192 = arith.constant 48 : index
        %get3A_193 = tpu.vector_load %arg8[%get3A_191, %get3A_192] {strides = array<i32>} : memref<512x64xf32, #tpu.memory_space<vmem>>, vector<16xf32>,
        %mul3A_194 = vector.broadcast %get3A_166 : f32 to vector<16xf32>
        %mul3A_195 = arith.mulf %get3A_193, %mul3A_194 : vector<16xf32>
        %swap3A_196 = arith.index_cast %scan3A_164 : i32 to index
        %swap3A_197 = arith.constant 48 : index
        %swap3A_198 = tpu.vector_load %arg8[%swap3A_196, %swap3A_197] {strides = array<i32>} : memref<512x64xf32, #tpu.memory_space<vmem>>, vector<16xf32>,
        tpu.vector_store %arg8[%swap3A_196, %swap3A_197], %mul3A_195 {strides = array<i32>} : memref<512x64xf32, #tpu.memory_space<vmem>>, vector<16xf32>,
        %scan3A_199 = arith.constant 0 : i32
        %scan3A_200 = arith.constant 3 : i32
        %scan3A_201 = arith.addi %scan3A_91, %scan3A_200 : i32
        %get3A_202 = arith.index_cast %scan3A_201 : i32 to index
        %get3A_203 = memref.load %arg9[%get3A_202] : memref<512xf32, #tpu.memory_space<smem>>
        %get3A_204 = arith.index_cast %scan3A_201 : i32 to index
        %get3A_205 = arith.constant 0 : index
        %get3A_206 = tpu.vector_load %arg8[%get3A_204, %get3A_205] {strides = array<i32>} : memref<512x64xf32, #tpu.memory_space<vmem>>, vector<16xf32>,
        %mul3A_207 = vector.broadcast %get3A_203 : f32 to vector<16xf32>
        %mul3A_208 = arith.mulf %get3A_206, %mul3A_207 : vector<16xf32>
        %swap3A_209 = arith.index_cast %scan3A_201 : i32 to index
        %swap3A_210 = arith.constant 0 : index
        %swap3A_211 = tpu.vector_load %arg8[%swap3A_209, %swap3A_210] {strides = array<i32>} : memref<512x64xf32, #tpu.memory_space<vmem>>, vector<16xf32>,
        tpu.vector_store %arg8[%swap3A_209, %swap3A_210], %mul3A_208 {strides = array<i32>} : memref<512x64xf32, #tpu.memory_space<vmem>>, vector<16xf32>,
        %get3A_212 = arith.index_cast %scan3A_201 : i32 to index
        %get3A_213 = arith.constant 16 : index
        %get3A_214 = tpu.vector_load %arg8[%get3A_212, %get3A_213] {strides = array<i32>} : memref<512x64xf32, #tpu.memory_space<vmem>>, vector<16xf32>,
        %mul3A_215 = vector.broadcast %get3A_203 : f32 to vector<16xf32>
        %mul3A_216 = arith.mulf %get3A_214, %mul3A_215 : vector<16xf32>
        %swap3A_217 = arith.index_cast %scan3A_201 : i32 to index
        %swap3A_218 = arith.constant 16 : index
        %swap3A_219 = tpu.vector_load %arg8[%swap3A_217, %swap3A_218] {strides = array<i32>} : memref<512x64xf32, #tpu.memory_space<vmem>>, vector<16xf32>,
        tpu.vector_store %arg8[%swap3A_217, %swap3A_218], %mul3A_216 {strides = array<i32>} : memref<512x64xf32, #tpu.memory_space<vmem>>, vector<16xf32>,
        %get3A_220 = arith.index_cast %scan3A_201 : i32 to index
        %get3A_221 = arith.constant 32 : index
        %get3A_222 = tpu.vector_load %arg8[%get3A_220, %get3A_221] {strides = array<i32>} : memref<512x64xf32, #tpu.memory_space<vmem>>, vector<16xf32>,
        %mul3A_223 = vector.broadcast %get3A_203 : f32 to vector<16xf32>
        %mul3A_224 = arith.mulf %get3A_222, %mul3A_223 : vector<16xf32>
        %swap3A_225 = arith.index_cast %scan3A_201 : i32 to index
        %swap3A_226 = arith.constant 32 : index
        %swap3A_227 = tpu.vector_load %arg8[%swap3A_225, %swap3A_226] {strides = array<i32>} : memref<512x64xf32, #tpu.memory_space<vmem>>, vector<16xf32>,
        tpu.vector_store %arg8[%swap3A_225, %swap3A_226], %mul3A_224 {strides = array<i32>} : memref<512x64xf32, #tpu.memory_space<vmem>>, vector<16xf32>,
        %get3A_228 = arith.index_cast %scan3A_201 : i32 to index
        %get3A_229 = arith.constant 48 : index
        %get3A_230 = tpu.vector_load %arg8[%get3A_228, %get3A_229] {strides = array<i32>} : memref<512x64xf32, #tpu.memory_space<vmem>>, vector<16xf32>,
        %mul3A_231 = vector.broadcast %get3A_203 : f32 to vector<16xf32>
        %mul3A_232 = arith.mulf %get3A_230, %mul3A_231 : vector<16xf32>
        %swap3A_233 = arith.index_cast %scan3A_201 : i32 to index
        %swap3A_234 = arith.constant 48 : index
        %swap3A_235 = tpu.vector_load %arg8[%swap3A_233, %swap3A_234] {strides = array<i32>} : memref<512x64xf32, #tpu.memory_space<vmem>>, vector<16xf32>,
        tpu.vector_store %arg8[%swap3A_233, %swap3A_234], %mul3A_232 {strides = array<i32>} : memref<512x64xf32, #tpu.memory_space<vmem>>, vector<16xf32>,
        %scan3A_236 = arith.constant 0 : i32
        scf.yield %scan3A_236 : i32
      }
      %scan3A_85 = arith.constant 512 : i32
      %dma_start3A_86 = arith.constant 0 : i32
      %dma_start3A_87 = tpu.memref_slice %arg4[%add3A_58, %dma_start3A_86] : memref<819200x64xf32, #tpu.memory_space<hbm>> -> memref<512x64xf32, #tpu.memory_space<hbm>>
      %dma_start3A_88 = arith.constant 0 : i32
      %dma_start3A_89 = tpu.memref_slice %arg4[%add3A_58, %dma_start3A_88] : memref<819200x64xf32, #tpu.memory_space<hbm>> -> memref<512x64xf32, #tpu.memory_space<hbm>>
      tpu.enqueue_dma source(%arg8 : memref<512x64xf32, #tpu.memory_space<vmem>>) target(%dma_start3A_89 : memref<512x64xf32, #tpu.memory_space<hbm>>) target_semaphore(%arg11 : memref<!tpu.dma_semaphore, #tpu.memory_space<semaphore_mem>>)
      %scan3A_90 = arith.constant 0 : i32
      scf.yield %scan3A_90 : i32
    }
    %scan3A_10 = arith.constant 25 : i32
    %add3A_11 = arith.constant 25088 : i32
    %add3A_12 = arith.addi %mul3A_2, %add3A_11 : i32
    %dma_wait3A = arith.constant 0 : i32
    %dma_wait3A_13 = tpu.memref_slice %arg4[%add3A_12, %dma_wait3A] : memref<819200x64xf32, #tpu.memory_space<hbm>> -> memref<512x64xf32, #tpu.memory_space<hbm>>
    %dma_wait3A_14 = arith.constant 0 : i32
    %dma_wait3A_15 = tpu.memref_slice %arg4[%add3A_12, %dma_wait3A_14] : memref<819200x64xf32, #tpu.memory_space<hbm>> -> memref<512x64xf32, #tpu.memory_space<hbm>>
    tpu.wait_dma2 semaphore(%arg11 : memref<!tpu.dma_semaphore, #tpu.memory_space<semaphore_mem>>) src(%arg8 : memref<512x64xf32, #tpu.memory_space<vmem>>) dst(%dma_wait3A_15 : memref<512x64xf32, #tpu.memory_space<hbm>>)
    return
  }
}

</mosaic_0001>

<sc_bundles>
// kernel: _run.3.cloned.1.call-start
scs
__scs_entry_jumppad:
0x0: {  	(pc) =	sbr.rel $0x88, $3  }
0x1: {  	(tag) =	ssettag $0x0;
	lr =	simm.s32 $0x1  }
0x2: {  	[smem:$0x3F9F] =	sst lr;
	_ =	strace $0xD0000000  }
0x3: {  	_ = 	snop  }
0x4: {  	_ = 	snop  }
0x5: {  	_ = 	snop  }
0x6: {  	_ = 	snop  }
0x7: {  	_ = 	snop  }
__scs_overlays_trampoline_lowered:
0x8: {  	[smem:$0x3FAE] =	sst s0  }
0x9: {  	[smem:$0x3FAF] =	sst s1  }
0xa: {  	[smem:$0x3FB0] =	sst s2  }
0xb: {  	[smem:$0x3FB1] =	sst s3  }
0xc: {  	[smem:$0x3FB2] =	sst s4  }
0xd: {  	[smem:$0x3FB3] =	sst s5  }
0xe: {  	[smem:$0x3FB4] =	sst s6  }
0xf: {  	[smem:$0x3FB5] =	sst s7  }
0x10: {  	[smem:$0x3FB6] =	sst s8  }
0x11: {  	[smem:$0x3FB7] =	sst s9;
	s0 =	simm.s32 @!p0 $0x0  }
0x12: {  	s1 =	sld [smem:$0x3F9D];
	s0 =	simm.s32 @p0 $0x1  }
0x13: {  	[smem:$0x3FB8] =	sst s0;
	s0 =	simm.s32 @!p1 $0x0  }
0x14: {  	s2 =	sld [smem:$0x3F9C];
	s0 =	simm.s32 @p1 $0x1  }
0x15: {  	[smem:$0x3FB9] =	sst s0;
	s0 =	simm.s32 @!p2 $0x0  }
0x16: {  	s3 =	sld [smem:$0x3FDB];
	s0 =	simm.s32 @p2 $0x1  }
0x17: {  	s4 =	simm.s32 $0x1BF5;
	[smem:$0x3FBB] =	sst s0  }
0x18: {  	s0 =	sld [smem:$0x3F9E];
	_ =	swait.ge [sflag:s4], $0x0  }
0x19: {  	s7 =	sld [smem:$0x3F9F]  }
0x1a: {  	s8 =	sadd.s32 $0xFFFFE003, lr  }
0x1b: {  	s9 =	sadd.s32 $0xFFFFFEF7, lr;
	s5 =	simm.s32 $0xFFFFFFFF;
	p2 =	slt.u32 s8, $0xFFFFF086  }
0x1c: {  	p1 =	slt.u32 s9, $0xF7A;
	s5 =	simm.s32 @!p2 $0x0  }
0x1d: {  	s5 =	simm.s32 @p1 $0x1;
	p0 =	seq.s32 s7, s2  }
0x1e: {  	s7 =	smul.u32 @!p0 $0xF7A, s2;
	p2 =	seq.s32 @!p0 s5, $0x0  }
0x1f: {  	s9 =	smul.u32 $0xF7A, s1;
	s8 =	simm.s32 @!p0 $0x1BF5;
	p2 =	por !p2, p0  }
0x20: {  	[sflag:s8] =	ssyncset.s32 @!p0 $0xFFFFF086;
	s6 =	sadd.s32 @!p0 s3, s7;
	s7 =	simm.s32 @!p0 $0x108  }
0x21: {  	s3 =	sadd.s32 s3, s9;
	s6 =	sadd.s32 @!p0 $0x88, s6;
	s7 =	simm.s32 @p2 $0x1082  }
0x22: {  	[simem:s7], [sflag:s8] =	dma.local @!p0 [hbm:s6], $0xF7A  }
0x23: {  	s9 =	sor.u32 $0xD0000000, s2;
	s6 =	simm.s32 $0x108;
	_ =	swait.ge @!p0 [sflag:s8], $0x0  }
0x24: {  	s3 =	sadd.s32 $0x88, s3;
	s6 =	simm.s32 @!p1 $0x1082;
	[sflag:s4] =	ssyncset.s32 $0xFFFFF086  }
0x25: {  	[simem:s6], [sflag:s4] =	dma.local [hbm:s3], $0xF7A  }
0x26: {  	[smem:$0x3F9F] =	sst s1;
	(tag) =	ssettag s2;
	_ =	strace s9  }
0x27: {  	s1 =	sld [smem:$0x3FAF]  }
0x28: {  	s2 =	sld [smem:$0x3FB0]  }
0x29: {  	s4 =	sld [smem:$0x3FB2]  }
0x2a: {  	p0 =	seq.s32 s5, $0x0;
	s5 =	sld [smem:$0x3FB3]  }
0x2b: {  	s6 =	sld [smem:$0x3FB4]  }
0x2c: {  	s7 =	sld [smem:$0x3FB5]  }
0x2d: {  	s3 =	simm.s32 $0x108;
	s8 =	sld [smem:$0x3FB6]  }
0x2e: {  	s3 =	simm.s32 @!p0 $0x1082;
	s9 =	sld [smem:$0x3FB7]  }
0x2f: {  	lr =	sadd.s32 s0, s3;
	s0 =	sld [smem:$0x3FAE]  }
0x30: {  	s3 =	sld [smem:$0x3FB1]  }
0x31: {  	[smem:$0x3FBA] =	sst s10  }
0x32: {  	s10 =	sld [smem:$0x3FB8];
	_ =	sdelay $0x3  }
0x33: {  	p0 =	seq.s32 s10, $0x1;
	s10 =	sld [smem:$0x3FBA];
	_ =	sdelay $0x3  }
0x34: {  	[smem:$0x3FBA] =	sst s10  }
0x35: {  	s10 =	sld [smem:$0x3FB9];
	_ =	sdelay $0x3  }
0x36: {  	p1 =	seq.s32 s10, $0x1;
	s10 =	sld [smem:$0x3FBA];
	_ =	sdelay $0x3  }
0x37: {  	[smem:$0x3FBA] =	sst s10  }
0x38: {  	s10 =	sld [smem:$0x3FBB]  }
0x39: {  	_ = 	snop;
	(pc) =	sbr.ind lr, $3  }
0x3a: {  	_ = 	snop  }
0x3b: {  	_ = 	snop  }
0x3c: {  	p2 =	seq.s32 s10, $0x1;
	s10 =	sld [smem:$0x3FBA]  }
0x3d: {  	_ =	shalt  }
0x3e: {  	_ =	shalt  }
0x3f: {  	_ =	shalt  }
0x40: {  	_ =	shalt  }
0x41: {  	_ =	shalt  }
0x42: {  	_ =	shalt  }
0x43: {  	_ =	shalt  }
0x44: {  	_ =	shalt  }
0x45: {  	_ =	shalt  }
0x46: {  	_ =	shalt  }
0x47: {  	_ =	shalt  }
0x48: {  	_ =	shalt  }
0x49: {  	_ =	shalt  }
0x4a: {  	_ =	shalt  }
0x4b: {  	_ =	shalt  }
0x4c: {  	_ =	shalt  }
0x4d: {  	_ =	shalt  }
0x4e: {  	_ =	shalt  }
0x4f: {  	_ =	shalt  }
0x50: {  	_ =	shalt  }
0x51: {  	_ =	shalt  }
0x52: {  	_ =	shalt  }
0x53: {  	_ =	shalt  }
0x54: {  	_ =	shalt  }
0x55: {  	_ =	shalt  }
0x56: {  	_ =	shalt  }
0x57: {  	_ =	shalt  }
0x58: {  	_ =	shalt  }
0x59: {  	_ =	shalt  }
0x5a: {  	_ =	shalt  }
0x5b: {  	_ =	shalt  }
0x5c: {  	_ =	shalt  }
0x5d: {  	_ =	shalt  }
0x5e: {  	_ =	shalt  }
0x5f: {  	_ =	shalt  }
0x60: {  	_ =	shalt  }
0x61: {  	_ =	shalt  }
0x62: {  	_ =	shalt  }
0x63: {  	_ =	shalt  }
0x64: {  	_ =	shalt  }
0x65: {  	_ =	shalt  }
0x66: {  	_ =	shalt  }
0x67: {  	_ =	shalt  }
0x68: {  	_ =	shalt  }
0x69: {  	_ =	shalt  }
0x6a: {  	_ =	shalt  }
0x6b: {  	_ =	shalt  }
0x6c: {  	_ =	shalt  }
0x6d: {  	_ =	shalt  }
0x6e: {  	_ =	shalt  }
0x6f: {  	_ =	shalt  }
0x70: {  	_ =	shalt  }
0x71: {  	_ =	shalt  }
0x72: {  	_ =	shalt  }
0x73: {  	_ =	shalt  }
0x74: {  	_ =	shalt  }
0x75: {  	_ =	shalt  }
0x76: {  	_ =	shalt  }
0x77: {  	_ =	shalt  }
0x78: {  	_ =	shalt  }
0x79: {  	_ =	shalt  }
0x7a: {  	_ =	shalt  }
0x7b: {  	_ =	shalt  }
0x7c: {  	_ =	shalt  }
0x7d: {  	_ =	shalt  }
0x7e: {  	_ =	shalt  }
0x7f: {  	_ =	shalt  }
0x80: {  	_ =	shalt  }
0x81: {  	_ =	shalt  }
0x82: {  	_ =	shalt  }
0x83: {  	_ =	shalt  }
0x84: {  	_ =	shalt  }
0x85: {  	_ =	shalt  }
0x86: {  	_ =	shalt  }
0x87: {  	_ =	shalt  }
.Lfunc_end0:
.L_simem_size_0:
called_computation.1_lowered:
.L_overlay_start_0:
0x88: {  	s2 =	sld [smem:$0x3FD9]  }
0x89: {  	s3 =	sld [smem:$0x3FFE];
	_ =	sdelay $0x1  }
0x8a: {  	s1 =	srdreg.scid  }
0x8b: {  	s0 =	sand.u32 $0x1, s1  }
0x8c: {  	s17 =	sshll.u32 s0, $0xA;
	s2 =	sadd.s32 s3, s2  }
0x8d: {  	s2 =	sadd.s32 s2, s17  }
0x8e: {  	[smem:$0x3FC6] =	sst s2  }
0x8f: {  	_ = 	snop  }
0x90: {  	s2 =	sld [smem:$0x3FC9]  }
0x91: {  	s18 =	sld [smem:$0x3FD0];
	(tm) =	ssettm $0x1  }
0x92: {  	s4 =	sld [smem:$0x3FFB];
	_ =	sdelay $0x3  }
0x93: {  	_ =	strace s4  }
0x94: {  	s4 =	sld [smem:$0x3FFC];
	_ =	sdelay $0x3  }
0x95: {  	_ =	strace s4  }
0x96: {  	s4 =	sld [smem:$0x3FFD];
	_ =	sdelay $0x3  }
0x97: {  	_ =	strace s4  }
0x98: {  	_ =	strace $0x8FFFFFFF  }
0x99: {  	s19 =	sld [smem:$0x3FDB];
	_ =	sdelay $0x1  }
0x9a: {  	s5 =	simm.s32 $_scs_section_size  }
0x9b: {  	s6 =	simm.s32 $_size__tile_overlayer_lowered;
	s7 =	simm.s32 $_tile_overlayer_lowered  }
0x9c: {  	s22 =	simm.s32 $0x1BFF;
	s21 =	sshll.u32 s7, $0x1;
	s4 =	sadd.s32 s5, s19  }
0x9d: {  	s8 =	simm.s32 $0x0;
	s20 =	sshll.u32 s6, $0x1;
	s6 =	sadd.s32 s21, s4  }
0x9e: {  	[timem:s8], [sflag:s22] =	dma.local [hbm:s6], s20  }
0x9f: {  	_ =	swait.ge [sflag:s22], s20  }
0xa0: {  	s5 =	ssub.s32 $0x0, s20;
	[sflag:s22] =	ssyncset.done $0x0  }
0xa1: {  	[sflag:s22] =	ssyncadd.s32 s5;
	_ =	sdelay $0x1  }
0xa2: {  	s23 =	simm.s32 $0x1B8B  }
0xa3: {  	_ =	swait.ge [sflag:s23], $0x1  }
0xa4: {  	[sflag:s23] =	ssyncset.done $0x0  }
0xa5: {  	s25 =	simm.s32 $0x1B8E;
	s24 =	sld [smem:$0x3FFE];
	[sflag:s23] =	ssyncadd.s32 $0xFFFFFFFF  }
0xa6: {  	s26 =	simm.s32 $execute0_lowered;
	[smem:$0x3FD2] =	sst s25  }
0xa7: {  	s6 =	sshll.u32 s26, $0x1;
	_ =	strace $0x80000046;
	[dreg:$0x1] =	wrdreg $0xFFFFFFFF  }
0xa8: {  	s28 =	simm.s32 $_size_execute0_lowered;
	s4 =	sadd.s32 s4, s6;
	[dreg:$0x0] =	wrdreg $0x0  }
0xa9: {  	s6 =	sshll.u32 s28, $0x1;
	[dreg:$0x2] =	wrdreg s4  }
0xaa: {  	[dreg:$0x3] =	wrdreg s6  }
0xab: {  	[dreg:$0x4] =	wrdreg $0xC0  }
0xac: {  	_ =	task [dreg:s8], $0x5FFFF  }
0xad: {  	[dreg:$0x1] =	wrdreg $0xFFFFFFFF  }
0xae: {  	[dreg:$0x0] =	wrdreg $0x60  }
0xaf: {  	[dreg:$0x2] =	wrdreg s2  }
0xb0: {  	[dreg:$0x3] =	wrdreg s24  }
0xb1: {  	[dreg:$0x4] =	wrdreg s18  }
0xb2: {  	[dreg:$0x5] =	wrdreg $0x9  }
0xb3: {  	_ =	task.clear_ibuf [dreg:s8], $0x6FFFF;
	_ =	strace $0x90000046  }
0xb4: {  	s29 =	simm.s32 $0x9;
	_ =	strace $0x80000048  }
0xb5: {  	_ =	swait.ge [sflag:s29], $0x1  }
0xb6: {  	[sflag:s29] =	ssyncadd.s32 $0xFFFFFFFF  }
0xb7: {  	_ =	strace $0x90000048  }
0xb8: {  	_ =	sfence  }
0xb9: {  	s30 =	sld [smem:$0x0];
	_ =	sdelay $0x2  }
0xba: {  	s31 =	sshll.u32 s1, $0xD;
	s1 =	sshrl.u32 s1, $0x2  }
0xbb: {  	s3 =	sand.u32 $0x4000, s31;
	s1 =	sadd.s32 s1, s30  }
0xbc: {  	s0 =	sor.u32 s3, s0;
	s1 =	sshll.u32 s1, $0x11  }
0xbd: {  	s0 =	sor.u32 s1, s0  }
0xbe: {  	s0 =	sadd.s32 $0x8F2B, s0  }
0xbf: {  	[sflag:s0] =	ssyncadd.remote.s32 $0x1  }
0xc0: {  	_ =	sfence.sel $0xFFFF  }
0xc1: {  	[dreg:$0x0] =	wrdreg $0xFFFFFFFF;
	(pc) =	sbr.abs _section_cstart, $3  }
0xc2: {  	[dreg:$0x1] =	wrdreg $0xFFFFFFFF  }
0xc3: {  	_ =	task.clear_ibuf [dreg:s8], $0x2FFFF;
	_ =	strace $0x9FFFFFFF  }
0xc4: {  	(tm) =	ssettm $0x7FFFFFFF  }
0xc5: {  	_ =	shalt  }
tec
execute0_lowered:
.L_overlay_start_1:
0x0: {  	(tag) =	ssettag $0x1  }
0x1: {  	s4 =	rddreg [dreg:$0x0];
	s0 =	srdreg.scid  }
0x2: {  	s2 =	stileid.u32;
	s1 =	rddreg [dreg:$0x1]  }
0x3: {  	s5 =	simm.s32 $0x0;
	s0 =	sand.u32 $0x1, s0;
	s2 =	sshll.u32 s2, $0x1  }
0x4: {  	[smem:$0x7FF] =	sst s5;
	s1 =	sadd.s32 $0xF42C00, s1;
	s31 =	sadd.s32 $0x40, s4  }
0x5: {  	s2 =	sor.u32 s0, s2;
	s0 =	ssub.s32 $0x2, s0;
	_ =	strace $0x80000047  }
0x6: {  	[dreg:$0x5] =	wrdreg s1;
	s3 =	smul.u32 $0x6400, s2;
	s29 =	sshrl.u32 s0, $0x1  }
0x7: {  	[dreg:$0x7] =	wrdreg s31;
	s0 =	ssub.s32 s0, s29  }
0x8: {  	[dreg:$0x4] =	wrdreg s3;
	s3 =	sshrl.u32 s3, $0x3;
	s0 =	smax.u32 s0, $0x1  }
0x9: {  	s30 =	sadd.s32 s4, s3;
	[dreg:$0x8] =	wrdreg s0  }
0xa: {  	s2 =	simm.s32 $0x0;
	s3 =	simm.s32 $0x8400;
	[dreg:$0x6] =	wrdreg s30  }
.LBB2_1:
0xb: {  	[dreg:$0x9] =	wrdreg s2  }
0xc: {  	s0 =	rddreg [dreg:$0x6];
	s29 =	simm.s32 $0x3  }
0xd: {  	[tilespmem:s5], [sflag:$0x3] =	stream.linear.gather [hbm4b:s0+s5], $0x200, $0x38;
	[tilespmem:$0x10400] =	vst v63  }
0xe: {  	_ =	swait.ge [sflag:s29], $0x200  }
0xf: {  	s1 =	simm.s32 $0x200;
	s31 =	simm.s32 $0x400;
	[sflag:s29] =	ssyncset.done $0x0  }
0x10: {  	s17 =	simm.s32 $0x0;
	s30 =	rddreg [dreg:$0x5];
	[sflag:s29] =	ssyncadd.s32 $0xFFFFFE00  }
0x11: {  	[tilespmem:s31], [sflag:$0x1] =	stream.indirect.gather [hbm4b:s30+s1], $0x40, s5, s1, $0xb8;
	[tilespmem:$0x10400] =	vst v63  }
.LBB2_2:
0x12: {  	p0 =	seq.s32 s17, $0x0;
	s0 =	sshll.u32 s17, $0xA;
	s2 =	rddreg [dreg:$0x4]  }
0x13: {  	s1 =	simm.s32 @!p0 $0x2;
	s0 =	sadd.s32 s2, s0  }
0x14: {  	s22 =	simm.s32 $0x200;
	_ =	swait.ge @!p0 [sflag:s1], $0x8000;
	[dreg:$0xb] =	wrdreg s0  }
0x15: {  	s0 =	sshrl.u32 s0, $0x3;
	[sflag:s1] =	ssyncset.done @!p0 $0x0;
	s21 =	rddreg [dreg:$0x7]  }
0x16: {  	s23 =	simm.s32 $0x3;
	[sflag:s1] =	ssyncadd.s32 @!p0 $0xFFFF8000;
	s0 =	sadd.s32 s0, s21  }
0x17: {  	[tilespmem:s22], [sflag:$0x3] =	stream.linear.gather [hbm4b:s0+s5], $0x200, $0x38;
	[tilespmem:$0x10400] =	vst v63  }
0x18: {  	_ =	swait.ge [sflag:s23], $0x200  }
0x19: {  	[sflag:s23] =	ssyncset.done $0x0  }
0x1a: {  	s25 =	simm.s32 $0x1;
	s24 =	rddreg [dreg:$0x5];
	[sflag:s23] =	ssyncadd.s32 $0xFFFFFE00  }
0x1b: {  	[tilespmem:s3], [sflag:$0x1] =	stream.indirect.gather [hbm4b:s24+s22], $0x40, s22, s22, $0xb8;
	[tilespmem:$0x10400] =	vst v63  }
0x1c: {  	_ =	swait.ge [sflag:s25], $0x8000  }
0x1d: {  	[sflag:s25] =	ssyncset.done $0x0  }
0x1e: {  	s19 =	simm.s32 $0x480;
	[sflag:s25] =	ssyncadd.s32 $0xFFFF8000  }
0x1f: {  	v0 =	vld [tilespmem:s19+$0x50]  }
0x20: {  	v1 =	vld [tilespmem:s19+$0x40]  }
0x21: {  	v2 =	vld [tilespmem:s19+$0x10]  }
0x22: {  	v3 =	vld [tilespmem:s19+$0x0]  }
0x23: {  	v4 =	vld [tilespmem:s19+$0x60]  }
0x24: {  	v5 =	vld [tilespmem:s19+$0x20]  }
0x25: {  	v6 =	vld [tilespmem:s19+$0x70]  }
0x26: {  	v7 =	vld [tilespmem:s19+$0x30];
	v0 =	vmul.f32 v0, v0;
	v1 =	vmul.f32 v1, v1  }
0x27: {  	v2 =	vmul.f32 v2, v2;
	v3 =	vmul.f32 v3, v3  }
0x28: {  	v4 =	vmul.f32 v4, v4;
	v0 =	vadd.f32 v0, v1  }
0x29: {  	v15 =	vmul.f32 v5, v5;
	v14 =	vadd.f32 v2, v3  }
0x2a: {  	v16 =	vmul.f32 v6, v6;
	v0 =	vadd.f32 v4, v0  }
0x2b: {  	v18 =	vld [tilespmem:s19+$0xFFFFFFC0];
	v17 =	vmul.f32 v7, v7;
	v1 =	vadd.f32 v15, v14  }
0x2c: {  	v19 =	vld [tilespmem:s19+$0xFFFFFFD0];
	v0 =	vadd.f32 v16, v0  }
0x2d: {  	v20 =	vld [tilespmem:s19+$0xFFFFFF80];
	v1 =	vadd.f32 v17, v1  }
0x2e: {  	v21 =	vld [tilespmem:s19+$0xFFFFFFE0];
	(xrf2) =	vadd.scan.msk.f32 $0xffff, v0  }
0x2f: {  	v23 =	vld [tilespmem:s19+$0xFFFFFF90];
	(xrf2) =	vadd.scan.msk.f32 $0xffff, v1  }
0x30: {  	v22 =	vld [tilespmem:s19+$0xFFFFFFF0]  }
0x31: {  	v24 =	vld [tilespmem:s19+$0xFFFFFFA0]  }
0x32: {  	v0 =	vmul.f32 v18, v18;
	v1 =	vmul.f32 v19, v19  }
0x33: {  	v28 =	vld [tilespmem:s19+$0xFFFFFFB0];
	v26 =	vmul.f32 v21, v21  }
0x34: {  	v30 =	vmul.f32 v23, v23;
	v2 =	vmul.f32 v20, v20;
	v0 =	vadd.f32 v1, v0  }
0x35: {  	v29 =	vmul.f32 v22, v22  }
0x36: {  	v31 =	vmul.f32 v24, v24;
	v2 =	vadd.f32 v30, v2;
	v0 =	vadd.f32 v26, v0;
	_ =	sdelay $0x1  }
0x37: {  	v32 =	vmul.f32 v28, v28;
	v1 =	vadd.f32 v31, v2;
	v0 =	vadd.f32 v29, v0;
	v25, _, _ =	vpop (xrf2)  }
0x38: {  	(v2sf) =	vpush v25, $0xF;
	v27, _, _ =	vpop (xrf2)  }
0x39: {  	v33 =	vadd.f32 v32, v1;
	(xrf2) =	vadd.scan.msk.f32 $0xffff, v0;
	(v2sf) =	vpush v27, $0xF;
	_ =	sdelay $0x1  }
0x3a: {  	(xrf2) =	vadd.scan.msk.f32 $0xffff, v33;
	_ =	sdelay $0x7  }
0x3b: {  	v34, _, _ =	vpop (xrf2)  }
0x3c: {  	(v2sf) =	vpush v34, $0xF  }
0x3d: {  	s20 =	simm.s32 $0x580;
	v35, _, _ =	vpop (xrf2)  }
0x3e: {  	v36 =	vld [tilespmem:s20+$0x50];
	(v2sf) =	vpush v35, $0xF  }
0x3f: {  	v37 =	vld [tilespmem:s20+$0x40];
	s0 =	spop (v2sf)  }
0x40: {  	s26 =	spop (v2sf);
	s4 =	sshra.s32 s0, $0x1  }
0x41: {  	v38 =	vld [tilespmem:s20+$0x60];
	s10 =	sshra.s32 s26, $0x1;
	s4 =	ssub.s32 $0x5F3759DF, s4  }
0x42: {  	s1 =	ssub.s32 $0x5F3759DF, s10;
	s12 =	smul.f32 s4, s0  }
0x43: {  	v39 =	vld [tilespmem:s20+$0x70];
	s11 =	smul.f32 s1, s26  }
0x44: {  	v40 =	vld [tilespmem:s20+$0x10];
	v1 =	vmul.f32 v36, v36;
	v0 =	vmul.f32 v37, v37;
	s5 =	smul.f32 $5.000000000e-01, s12  }
0x45: {  	v41 =	vld [tilespmem:s20+$0x0];
	s3 =	smul.f32 $5.000000000e-01, s11  }
0x46: {  	v42 =	vld [tilespmem:s20+$0x20];
	v2 =	vmul.f32 v38, v38;
	v0 =	vadd.f32 v1, v0;
	s13 =	smul.f32 s4, s5  }
0x47: {  	v43 =	vld [tilespmem:s20+$0xFFFFFFC0];
	s3 =	smul.f32 s1, s3  }
0x48: {  	v44 =	vld [tilespmem:s20+$0xFFFFFFD0];
	v3 =	vmul.f32 v39, v39;
	v0 =	vadd.f32 v2, v0;
	s6 =	ssub.f32 $1.500000000e+00, s13  }
0x49: {  	v45 =	vld [tilespmem:s20+$0x30];
	s3 =	ssub.f32 $1.500000000e+00, s3  }
0x4a: {  	v8 =	vld [tilespmem:s20+$0xFFFFFFE0];
	v0 =	vadd.f32 v3, v0;
	s4 =	smul.f32 s4, s6  }
0x4b: {  	v47 =	vld [tilespmem:s20+$0xFFFFFF80];
	s15 =	spop (v2sf);
	s3 =	smul.f32 s1, s3  }
0x4c: {  	v9 =	vld [tilespmem:s20+$0xFFFFFFF0];
	v46 =	vmul.f32 v41, v41;
	v4 =	vmul.f32 v40, v40;
	(xrf2) =	vadd.scan.msk.f32 $0xffff, v0;
	s16 =	sshra.s32 s15, $0x1;
	s7 =	smul.f32 s4, s0  }
0x4d: {  	v50 =	vld [tilespmem:s20+$0xFFFFFF90];
	v49 =	vmul.f32 v42, v42;
	s9 =	spop (v2sf);
	s6 =	ssub.s32 $0x5F3759DF, s16;
	s14 =	smul.f32 s3, s26  }
0x4e: {  	v51 =	vmul.f32 v44, v44;
	v48 =	vadd.f32 v4, v46;
	v1 =	vmul.f32 v43, v43;
	s10 =	sshra.s32 s9, $0x1;
	s8 =	smul.f32 s6, s15  }
0x4f: {  	v52 =	vld [tilespmem:s20+$0xFFFFFFA0];
	v53 =	vmul.f32 v8, v8;
	s18 =	ssub.s32 $0x5F3759DF, s10;
	s7 =	smul.f32 $5.000000000e-01, s7  }
0x50: {  	v2 =	vmul.f32 v45, v45;
	v1 =	vadd.f32 v51, v1;
	v0 =	vadd.f32 v49, v48;
	s10 =	smul.f32 s18, s9  }
0x51: {  	v54 =	vld [tilespmem:s20+$0xFFFFFFB0];
	v55 =	vmul.f32 v9, v9;
	v5 =	vmul.f32 v47, v47;
	s5 =	smul.f32 $5.000000000e-01, s14  }
0x52: {  	v4 =	vmul.f32 v50, v50;
	v1 =	vadd.f32 v53, v1;
	v0 =	vadd.f32 v2, v0;
	s8 =	smul.f32 $5.000000000e-01, s8  }
0x53: {  	s7 =	smul.f32 s7, s4  }
0x54: {  	v57 =	vmul.f32 v52, v52;
	v58 =	vadd.f32 v4, v5;
	v56 =	vadd.f32 v55, v1;
	(xrf2) =	vadd.scan.msk.f32 $0xffff, v0;
	s5 =	smul.f32 s5, s3  }
0x55: {  	s8 =	smul.f32 s6, s8;
	s7 =	ssub.f32 $1.500000000e+00, s7  }
0x56: {  	v59 =	vmul.f32 v54, v54;
	v1 =	vadd.f32 v57, v58;
	(xrf2) =	vadd.scan.msk.f32 $0xffff, v56;
	v60, _, _ =	vpop (xrf2);
	s21 =	smul.f32 $5.000000000e-01, s10;
	s5 =	ssub.f32 $1.500000000e+00, s5  }
0x57: {  	(v2sf) =	vpush v60, $0xF;
	s8 =	ssub.f32 $1.500000000e+00, s8;
	s4 =	smul.f32 s7, s4  }
0x58: {  	v0 =	vadd.f32 v59, v1;
	s3 =	smul.f32 s5, s3  }
0x59: {  	s22 =	smul.f32 s6, s8  }
0x5a: {  	(xrf2) =	vadd.scan.msk.f32 $0xffff, v0;
	s0 =	smul.f32 s4, s0  }
0x5b: {  	s2 =	smul.f32 s3, s26  }
0x5c: {  	s3 =	smul.f32 s18, s21  }
0x5d: {  	s24 =	smul.f32 s22, s15  }
0x5e: {  	v61, _, _ =	vpop (xrf2);
	s3 =	ssub.f32 $1.500000000e+00, s3;
	s2 =	smul.f32 $1.001001000e+00, s2  }
0x5f: {  	(v2sf) =	vpush v61, $0xF;
	s25 =	smul.f32 $5.000000000e-01, s24  }
0x60: {  	v62, _, _ =	vpop (xrf2);
	s3 =	smul.f32 s18, s3;
	s2 =	smin.f32 s2, $1.000000000e+00  }
0x61: {  	(v2sf) =	vpush v62, $0xF;
	s16 =	sadd.f32 $9.999999930e-09, s2;
	s2 =	smul.f32 s25, s22  }
0x62: {  	s23 =	smul.f32 s3, s9  }
0x63: {  	s0 =	smul.f32 $1.001001000e+00, s0;
	s2 =	ssub.f32 $1.500000000e+00, s2  }
0x64: {  	v63, _, _ =	vpop (xrf2);
	s6 =	smul.f32 $5.000000000e-01, s23  }
0x65: {  	(v2sf) =	vpush v63, $0xF;
	s2 =	smul.f32 s2, s22  }
0x66: {  	s25 =	spop (v2sf);
	s11 =	ssub.s32 $0x7EF127EA, s16;
	s6 =	smul.f32 s6, s3  }
0x67: {  	s7 =	sshra.s32 s25, $0x1;
	s26 =	smul.f32 s11, s16  }
0x68: {  	s7 =	ssub.s32 $0x5F3759DF, s7;
	s1 =	smul.f32 s2, s15;
	s6 =	ssub.f32 $1.500000000e+00, s6  }
0x69: {  	s21 =	ssub.f32 $2.000000000e+00, s26;
	s2 =	smul.f32 s7, s25  }
0x6a: {  	s23 =	sshll.u32 s17, $0x1;
	s3 =	smul.f32 s6, s3  }
0x6b: {  	s30 =	simm.s32 $0x4;
	[dreg:$0xc] =	wrdreg s23;
	s5 =	smul.f32 s11, s21  }
0x6c: {  	s31 =	simm.s32 $0x680;
	s26 =	smin.f32 s0, $1.000000000e+00;
	s3 =	smul.f32 s3, s9  }
0x6d: {  	s22 =	simm.s32 $0x2;
	s11 =	sadd.f32 $9.999999930e-09, s26;
	s9 =	smul.f32 $5.000000000e-01, s2  }
0x6e: {  	s23 =	simm.s32 $0x0;
	s2 =	spop (v2sf);
	s3 =	smul.f32 $1.001001000e+00, s3  }
0x6f: {  	s26 =	simm.s32 $0x2;
	s1 =	smul.f32 $1.001001000e+00, s1;
	s15 =	sshra.s32 s2, $0x1  }
0x70: {  	s28 =	spop (v2sf);
	s13 =	ssub.s32 $0x5F3759DF, s15;
	s3 =	smin.f32 s3, $1.000000000e+00  }
0x71: {  	s24 =	sshra.s32 s28, $0x1;
	s8 =	smul.f32 s7, s9;
	s12 =	sadd.f32 $9.999999930e-09, s3  }
0x72: {  	s1 =	smin.f32 s1, $1.000000000e+00;
	s14 =	smul.f32 s13, s2;
	s0 =	ssub.s32 $0x5F3759DF, s24  }
0x73: {  	s9 =	smul.f32 s0, s28;
	s3 =	sadd.f32 $9.999999930e-09, s1;
	s10 =	ssub.s32 $0x7EF127EA, s12  }
0x74: {  	s6 =	ssub.s32 $0x7EF127EA, s11;
	s29 =	spop (v2sf);
	s18 =	smul.f32 s10, s12  }
0x75: {  	s24 =	simm.s32 $0x2;
	s21 =	smul.f32 $5.000000000e-01, s14;
	s4 =	ssub.s32 $0x7EF127EA, s3  }
0x76: {  	s1 =	sshra.s32 s29, $0x1;
	s15 =	smul.f32 s4, s3;
	s14 =	ssub.f32 $2.000000000e+00, s18  }
.LBB2_3:
0x77: {  	v0 =	vld [tilespmem:s31+$0xFFFFFF80];
	s30 =	sadd.s32 $0x4, s30;
	s16 =	smul.f32 s5, s16;
	s24 =	sadd.s32 $0x4, s24  }
0x78: {  	v1 =	vld [tilespmem:s31+$0x50];
	p0 =	slt.u32 s30, $0x1FC;
	s21 =	smul.f32 s13, s21  }
0x79: {  	s18 =	smul.f32 s6, s11;
	v2 =	vld [tilespmem:s31+$0x60];
	s16 =	ssub.f32 $2.000000000e+00, s16  }
0x7a: {  	s10 =	smul.f32 s10, s14;
	s14 =	ssub.f32 $2.000000000e+00, s15;
	v3 =	vld [tilespmem:s31+$0x30]  }
0x7b: {  	s15 =	ssub.f32 $2.000000000e+00, s18;
	v4 =	vld [tilespmem:s31+$0x40];
	s5 =	smul.f32 s16, s5  }
0x7c: {  	s4 =	smul.f32 s4, s14;
	v0 =	vmul.f32 v0, v0;
	v5 =	vld [tilespmem:s31+$0x70]  }
0x7d: {  	s6 =	smul.f32 s6, s15;
	v6 =	vld [tilespmem:s31+$0xFFFFFFB0];
	v1 =	vmul.f32 v1, v1  }
0x7e: {  	s14 =	ssub.f32 $1.500000000e+00, s21;
	s12 =	smul.f32 s10, s12;
	v7 =	vld [tilespmem:s31+$0xFFFFFFF0]  }
0x7f: {  	s15 =	smul.f32 s4, s3;
	v8 =	vld [tilespmem:s31+$0x10]  }
0x80: {  	s3 =	smul.f32 s13, s14;
	s12 =	ssub.f32 $2.000000000e+00, s12;
	v9 =	vld [tilespmem:s31+$0xFFFFFFA0];
	v4 =	vmul.f32 v4, v4  }
0x81: {  	s11 =	smul.f32 s6, s11;
	v2 =	vmul.f32 v2, v2;
	s13 =	ssub.f32 $2.000000000e+00, s15;
	v10 =	vld [tilespmem:s31+$0x20]  }
0x82: {  	s8 =	ssub.f32 $1.500000000e+00, s8;
	s10 =	smul.f32 s12, s10;
	v11 =	vld [tilespmem:s31+$0x0];
	v1 =	vadd.f32 v1, v4;
	v4 =	vmul.f32 v5, v5  }
0x83: {  	s12 =	sadd.s32 $0xFFFFFFFE, s26;
	s11 =	ssub.f32 $2.000000000e+00, s11;
	s4 =	smul.f32 s13, s4;
	v5 =	vld [tilespmem:s31+$0xFFFFFFC0];
	v7 =	vmul.f32 v7, v7  }
0x84: {  	s13 =	smul.f32 s3, s2;
	v6 =	vmul.f32 v6, v6;
	v12 =	vld [tilespmem:s31+$0xFFFFFFD0];
	v1 =	vadd.f32 v2, v1;
	[smem:s12] =	sst s10;
	s10 =	sadd.s32 $0xFFFFFFFF, s26  }
0x85: {  	v2 =	vld [tilespmem:s31+$0xFFFFFF90];
	v9 =	vmul.f32 v9, v9;
	[smem:s10] =	sst s4;
	s4 =	smul.f32 s11, s6  }
0x86: {  	v8 =	vmul.f32 v8, v8;
	s6 =	smul.f32 $5.000000000e-01, s13;
	v13 =	vld [tilespmem:s31+$0xFFFFFFE0];
	v1 =	vadd.f32 v4, v1;
	[smem:s26] =	sst s5;
	s5 =	sadd.s32 $0x1, s26  }
0x87: {  	s7 =	smul.f32 s7, s8;
	v3 =	vmul.f32 v3, v3;
	s26 =	smov.u32 s24;
	v4 =	vmul.f32 v11, v11;
	[smem:s5] =	sst s4  }
0x88: {  	s4 =	smul.f32 s6, s3;
	v5 =	vmul.f32 v5, v5;
	(xrf2) =	vadd.scan.msk.f32 $0xffff, v1  }
0x89: {  	s5 =	smul.f32 s7, s25;
	v1 =	vmul.f32 v12, v12;
	v4 =	vadd.f32 v8, v4;
	v8 =	vmul.f32 v10, v10  }
0x8a: {  	s4 =	ssub.f32 $1.500000000e+00, s4;
	v2 =	vmul.f32 v2, v2  }
0x8b: {  	s5 =	smul.f32 $5.000000000e-01, s5;
	v1 =	vadd.f32 v1, v5;
	v5 =	vmul.f32 v13, v13;
	v4 =	vadd.f32 v8, v4  }
0x8c: {  	s1 =	ssub.s32 $0x5F3759DF, s1;
	s3 =	smul.f32 s4, s3;
	v0 =	vadd.f32 v2, v0  }
0x8d: {  	s4 =	smul.f32 s5, s7;
	v1 =	vadd.f32 v5, v1;
	v2 =	vadd.f32 v3, v4  }
0x8e: {  	s5 =	smul.f32 s1, s29;
	v0 =	vadd.f32 v9, v0  }
0x8f: {  	s2 =	smul.f32 s3, s2;
	v3 =	vadd.f32 v7, v1;
	(xrf2) =	vadd.scan.msk.f32 $0xffff, v2  }
0x90: {  	s3 =	smul.f32 $5.000000000e-01, s5;
	v0 =	vadd.f32 v6, v0  }
0x91: {  	s5 =	smul.f32 $5.000000000e-01, s9  }
0x92: {  	s3 =	smul.f32 s1, s3;
	(xrf2) =	vadd.scan.msk.f32 $0xffff, v3;
	v1, _, _ =	vpop (xrf2)  }
0x93: {  	s4 =	ssub.f32 $1.500000000e+00, s4;
	s5 =	smul.f32 s0, s5;
	(v2sf) =	vpush v1, $0xF  }
0x94: {  	s2 =	smul.f32 $1.001001000e+00, s2;
	s3 =	ssub.f32 $1.500000000e+00, s3  }
0x95: {  	s4 =	smul.f32 s4, s7;
	s5 =	ssub.f32 $1.500000000e+00, s5;
	(xrf2) =	vadd.scan.msk.f32 $0xffff, v0  }
0x96: {  	s3 =	smul.f32 s1, s3;
	s1 =	smin.f32 s2, $1.000000000e+00  }
0x97: {  	s0 =	smul.f32 s0, s5;
	s16 =	sadd.f32 $9.999999930e-09, s1  }
0x98: {  	s2 =	smul.f32 s3, s29  }
0x99: {  	s5 =	smul.f32 s0, s28;
	s1 =	ssub.s32 $0x7EF127EA, s16;
	v0, _, _ =	vpop (xrf2)  }
0x9a: {  	s2 =	smul.f32 $5.000000000e-01, s2;
	(v2sf) =	vpush v0, $0xF  }
0x9b: {  	s5 =	smul.f32 $5.000000000e-01, s5  }
0x9c: {  	s2 =	smul.f32 s2, s3;
	v0, _, _ =	vpop (xrf2)  }
0x9d: {  	s5 =	smul.f32 s5, s0;
	(v2sf) =	vpush v0, $0xF  }
0x9e: {  	s6 =	smul.f32 s1, s16;
	s2 =	ssub.f32 $1.500000000e+00, s2  }
0x9f: {  	s4 =	smul.f32 s4, s25;
	s5 =	ssub.f32 $1.500000000e+00, s5;
	v0, _, _ =	vpop (xrf2)  }
0xa0: {  	s2 =	smul.f32 s2, s3;
	(v2sf) =	vpush v0, $0xF  }
0xa1: {  	s0 =	smul.f32 s5, s0  }
0xa2: {  	s2 =	smul.f32 s2, s29;
	s25 =	spop (v2sf)  }
0xa3: {  	s5 =	ssub.f32 $2.000000000e+00, s6;
	s0 =	smul.f32 s0, s28;
	s3 =	sshra.s32 s25, $0x1  }
0xa4: {  	s2 =	smul.f32 $1.001001000e+00, s2;
	s7 =	ssub.s32 $0x5F3759DF, s3  }
0xa5: {  	s0 =	smul.f32 $1.001001000e+00, s0  }
0xa6: {  	s2 =	smin.f32 s2, $1.000000000e+00;
	s6 =	smul.f32 s7, s25  }
0xa7: {  	s0 =	smin.f32 s0, $1.000000000e+00;
	s12 =	sadd.f32 $9.999999930e-09, s2  }
0xa8: {  	s3 =	sadd.f32 $9.999999930e-09, s0;
	s0 =	smul.f32 $1.001001000e+00, s4  }
0xa9: {  	s10 =	ssub.s32 $0x7EF127EA, s12;
	s6 =	smul.f32 $5.000000000e-01, s6;
	s2 =	spop (v2sf)  }
0xaa: {  	s4 =	ssub.s32 $0x7EF127EA, s3;
	s14 =	smul.f32 s10, s12;
	s8 =	sshra.s32 s2, $0x1  }
0xab: {  	s15 =	smul.f32 s4, s3;
	s13 =	ssub.s32 $0x5F3759DF, s8  }
0xac: {  	s0 =	smin.f32 s0, $1.000000000e+00;
	s18 =	smul.f32 s13, s2  }
.Ltmp0:
0xad: {  	s28 =	spop (v2sf);
	(pc) =	sbr.rel @p0 .LBB2_3-.Ltmp0, $4  }
0xae: {  	s11 =	sadd.f32 $9.999999930e-09, s0;
	s8 =	smul.f32 s7, s6;
	s9 =	sshra.s32 s28, $0x1  }
0xaf: {  	s31 =	sadd.s32 $0x100, s31;
	s5 =	smul.f32 s1, s5;
	s0 =	ssub.s32 $0x5F3759DF, s9  }
0xb0: {  	s6 =	ssub.s32 $0x7EF127EA, s11;
	s9 =	smul.f32 s0, s28;
	s29 =	spop (v2sf)  }
0xb1: {  	s14 =	ssub.f32 $2.000000000e+00, s14;
	s21 =	smul.f32 $5.000000000e-01, s18;
	s1 =	sshra.s32 s29, $0x1  }
0xb2: {  	s16 =	smul.f32 s5, s16  }
0xb3: {  	s30 =	smul.f32 s6, s11  }
0xb4: {  	s9 =	smul.f32 $5.000000000e-01, s9  }
0xb5: {  	s31 =	ssub.f32 $2.000000000e+00, s15;
	s18 =	smul.f32 s13, s21  }
0xb6: {  	s8 =	ssub.f32 $1.500000000e+00, s8;
	s10 =	smul.f32 s10, s14  }
0xb7: {  	s4 =	smul.f32 s4, s31  }
0xb8: {  	s8 =	smul.f32 s7, s8  }
0xb9: {  	s16 =	ssub.f32 $2.000000000e+00, s16;
	s9 =	smul.f32 s0, s9  }
0xba: {  	s15 =	ssub.f32 $2.000000000e+00, s30;
	s12 =	smul.f32 s10, s12  }
0xbb: {  	s16 =	smul.f32 s16, s5  }
0xbc: {  	s5 =	smul.f32 s6, s15  }
0xbd: {  	s21 =	ssub.f32 $1.500000000e+00, s18;
	s3 =	smul.f32 s4, s3  }
0xbe: {  	s15 =	smul.f32 s8, s25;
	s12 =	ssub.f32 $2.000000000e+00, s12  }
0xbf: {  	s6 =	smul.f32 s13, s21  }
0xc0: {  	s31 =	ssub.f32 $2.000000000e+00, s3;
	s3 =	smul.f32 s12, s10  }
0xc1: {  	s12 =	smul.f32 s6, s2  }
0xc2: {  	s30 =	smul.f32 s5, s11  }
0xc3: {  	s10 =	smul.f32 $5.000000000e-01, s12  }
0xc4: {  	s21 =	smul.f32 $5.000000000e-01, s15  }
0xc5: {  	s1 =	ssub.s32 $0x5F3759DF, s1;
	s14 =	ssub.f32 $2.000000000e+00, s30;
	s10 =	smul.f32 s10, s6  }
0xc6: {  	s30 =	smul.f32 s1, s29  }
0xc7: {  	s7 =	smul.f32 s14, s5;
	s18 =	ssub.f32 $1.500000000e+00, s10  }
0xc8: {  	s10 =	smul.f32 s21, s8  }
0xc9: {  	s5 =	smul.f32 s18, s6  }
0xca: {  	s6 =	smul.f32 $5.000000000e-01, s30  }
0xcb: {  	s4 =	smul.f32 s31, s4  }
0xcc: {  	s10 =	ssub.f32 $1.500000000e+00, s10;
	s6 =	smul.f32 s1, s6  }
0xcd: {  	s9 =	ssub.f32 $1.500000000e+00, s9;
	s31 =	smul.f32 s5, s2  }
0xce: {  	s8 =	smul.f32 s10, s8  }
0xcf: {  	s10 =	smul.f32 s0, s9  }
0xd0: {  	s6 =	ssub.f32 $1.500000000e+00, s6;
	s2 =	smul.f32 $1.001001000e+00, s31  }
0xd1: {  	s8 =	smul.f32 s8, s25  }
0xd2: {  	s1 =	smul.f32 s1, s6  }
0xd3: {  	s6 =	smul.f32 s10, s28  }
0xd4: {  	s12 =	smul.f32 $1.001001000e+00, s8  }
0xd5: {  	s5 =	smul.f32 s1, s29  }
0xd6: {  	s6 =	smul.f32 $5.000000000e-01, s6  }
0xd7: {  	s2 =	smin.f32 s2, $1.000000000e+00;
	s5 =	smul.f32 $5.000000000e-01, s5  }
0xd8: {  	s2 =	sadd.f32 $9.999999930e-09, s2;
	s6 =	smul.f32 s6, s10  }
0xd9: {  	s5 =	smul.f32 s5, s1  }
0xda: {  	s11 =	ssub.s32 $0x7EF127EA, s2;
	s6 =	ssub.f32 $1.500000000e+00, s6  }
0xdb: {  	s13 =	smul.f32 s11, s2;
	s5 =	ssub.f32 $1.500000000e+00, s5  }
0xdc: {  	s0 =	smul.f32 s6, s10  }
0xdd: {  	s1 =	smul.f32 s5, s1  }
0xde: {  	s0 =	smul.f32 s0, s28  }
0xdf: {  	s1 =	smul.f32 s1, s29  }
0xe0: {  	s0 =	smul.f32 $1.001001000e+00, s0  }
0xe1: {  	s1 =	smul.f32 $1.001001000e+00, s1  }
0xe2: {  	s8 =	ssub.f32 $2.000000000e+00, s13;
	s0 =	smin.f32 s0, $1.000000000e+00  }
0xe3: {  	s0 =	sadd.f32 $9.999999930e-09, s0;
	s1 =	smin.f32 s1, $1.000000000e+00  }
0xe4: {  	s6 =	smin.f32 s12, $1.000000000e+00;
	s1 =	sadd.f32 $9.999999930e-09, s1  }
0xe5: {  	s6 =	sadd.f32 $9.999999930e-09, s6;
	s5 =	smul.f32 s11, s8;
	s18 =	ssub.s32 $0x7EF127EA, s0  }
0xe6: {  	s21 =	smul.f32 s18, s0;
	s14 =	ssub.s32 $0x7EF127EA, s1  }
0xe7: {  	s25 =	ssub.s32 $0x7EF127EA, s6;
	s15 =	smul.f32 s14, s1  }
0xe8: {  	s28 =	smul.f32 s25, s6;
	s29 =	ssub.f32 $2.000000000e+00, s21  }
0xe9: {  	s2 =	smul.f32 s5, s2;
	s10 =	ssub.f32 $2.000000000e+00, s15  }
0xea: {  	s30 =	sadd.s32 $0xFFFFFFFE, s26;
	s31 =	ssub.f32 $2.000000000e+00, s28;
	s8 =	smul.f32 s18, s29  }
0xeb: {  	[smem:s30] =	sst s3;
	s9 =	smul.f32 s14, s10  }
0xec: {  	s2 =	ssub.f32 $2.000000000e+00, s2;
	s15 =	smul.f32 s25, s31;
	s14 =	sadd.s32 $0xFFFFFFFF, s26  }
0xed: {  	[smem:s14] =	sst s4;
	s1 =	smul.f32 s9, s1  }
0xee: {  	s0 =	smul.f32 s8, s0;
	[smem:s26] =	sst s16  }
0xef: {  	s21 =	smul.f32 s15, s6;
	s1 =	ssub.f32 $2.000000000e+00, s1  }
0xf0: {  	s18 =	sadd.s32 $0x1, s26;
	s0 =	ssub.f32 $2.000000000e+00, s0  }
0xf1: {  	s25 =	sadd.s32 $0x4, s24;
	s4 =	ssub.f32 $2.000000000e+00, s21;
	s1 =	smul.f32 s1, s9  }
0xf2: {  	s26 =	sadd.s32 $0xFFFFFFFE, s25;
	[smem:s18] =	sst s7;
	s0 =	smul.f32 s0, s8  }
0xf3: {  	s2 =	smul.f32 s2, s5;
	s28 =	sadd.s32 $0xFFFFFFFF, s25;
	[smem:s26] =	sst s1  }
0xf4: {  	s29 =	smul.f32 s4, s15;
	[smem:s28] =	sst s0  }
0xf5: {  	v0 =	vld [tilespmem:s19+$0xFFFFFF80];
	s30 =	sadd.s32 $0x1, s25;
	[smem:s25] =	sst s2  }
0xf6: {  	v1 =	vld [tilespmem:s19+$0xFFFFFF90];
	[smem:s30] =	sst s29  }
0xf7: {  	s1 =	sld [smem:$0x0];
	v2 =	vld [tilespmem:s19+$0xFFFFFFA0]  }
0xf8: {  	v3 =	vld [tilespmem:s19+$0xFFFFFFB0]  }
0xf9: {  	v4 =	vld [tilespmem:s19+$0xFFFFFFC0]  }
0xfa: {  	v5 =	vld [tilespmem:s19+$0xFFFFFFD0];
	v0 =	vmul.f32 s1, v0  }
0xfb: {  	s0 =	sld [smem:$0x1];
	v6 =	vld [tilespmem:s19+$0xFFFFFFE0];
	v1 =	vmul.f32 s1, v1  }
0xfc: {  	[tilespmem:s19+$0xFFFFFF80] =	vst v0;
	v0 =	vmul.f32 s1, v2  }
0xfd: {  	v2 =	vld [tilespmem:s19+$0x0];
	[tilespmem:s19+$0xFFFFFF90] =	vst v1;
	v1 =	vmul.f32 s1, v3  }
0xfe: {  	v3 =	vld [tilespmem:s19+$0x10];
	[tilespmem:s19+$0xFFFFFFA0] =	vst v0;
	v0 =	vmul.f32 s0, v4  }
0xff: {  	s31 =	sld [smem:$0x2];
	v4 =	vld [tilespmem:s19+$0x20];
	[tilespmem:s19+$0xFFFFFFB0] =	vst v1;
	v1 =	vmul.f32 s0, v5  }
0x100: {  	v7 =	vld [tilespmem:s19+$0x30];
	v5 =	vmul.f32 s0, v6;
	[tilespmem:s19+$0xFFFFFFC0] =	vst v0  }
0x101: {  	v0 =	vld [tilespmem:s19+$0x40];
	[tilespmem:s19+$0xFFFFFFD0] =	vst v1  }
0x102: {  	v1 =	vld [tilespmem:s19+$0x50];
	[tilespmem:s19+$0xFFFFFFE0] =	vst v5;
	v2 =	vmul.f32 s31, v2  }
0x103: {  	s1 =	sld [smem:$0x3];
	v6 =	vmul.f32 s31, v3;
	v3 =	vld [tilespmem:s19+$0x60]  }
0x104: {  	[tilespmem:s19+$0x0] =	vst v2;
	v5 =	vmul.f32 s31, v4;
	v4 =	vld [tilespmem:s19+$0x70]  }
0x105: {  	v2 =	vld [tilespmem:s19+$0xFFFFFFF0];
	[tilespmem:s19+$0x10] =	vst v6;
	v6 =	vmul.f32 s31, v7  }
.LBB2_5:
0x106: {  	v7 =	vld [tilespmem:s20+$0xFFFFFF80];
	[tilespmem:s19+$0x20] =	vst v5;
	v0 =	vmul.f32 s1, v0  }
0x107: {  	s22 =	sadd.s32 $0x4, s22;
	v5 =	vld [tilespmem:s20+$0xFFFFFF90];
	[tilespmem:s19+$0x30] =	vst v6;
	v1 =	vmul.f32 s1, v1  }
0x108: {  	s2 =	sld [smem:s22+$0xFFFFFFFE];
	v6 =	vld [tilespmem:s20+$0xFFFFFFA0];
	[tilespmem:s19+$0x40] =	vst v0;
	v0 =	vmul.f32 s1, v3  }
0x109: {  	v3 =	vld [tilespmem:s20+$0xFFFFFFB0];
	[tilespmem:s19+$0x50] =	vst v1;
	v1 =	vmul.f32 s1, v4  }
0x10a: {  	v4 =	vld [tilespmem:s20+$0xFFFFFFC0];
	v2 =	vmul.f32 s0, v2;
	[tilespmem:s19+$0x60] =	vst v0  }
0x10b: {  	v0 =	vmul.f32 s2, v7;
	v7 =	vld [tilespmem:s20+$0xFFFFFFD0];
	[tilespmem:s19+$0x70] =	vst v1  }
0x10c: {  	v1 =	vmul.f32 s2, v5;
	s0 =	sld [smem:s22+$0xFFFFFFFF];
	v5 =	vld [tilespmem:s20+$0xFFFFFFE0];
	[tilespmem:s19+$0xFFFFFFF0] =	vst v2;
	s19 =	smov.u32 s20  }
0x10d: {  	[tilespmem:s20+$0xFFFFFF80] =	vst v0;
	v0 =	vmul.f32 s2, v6;
	v2 =	vld [tilespmem:s20+$0x0]  }
0x10e: {  	[tilespmem:s20+$0xFFFFFF90] =	vst v1;
	v1 =	vmul.f32 s2, v3;
	v3 =	vld [tilespmem:s20+$0x10]  }
0x10f: {  	s23 =	sadd.s32 $0x4, s23;
	[tilespmem:s20+$0xFFFFFFA0] =	vst v0;
	v0 =	vmul.f32 s0, v4;
	s2 =	sld [smem:s22+$0x0];
	v4 =	vld [tilespmem:s20+$0x20]  }
0x110: {  	p0 =	slt.u32 s23, $0x1FC;
	[tilespmem:s20+$0xFFFFFFB0] =	vst v1;
	v1 =	vmul.f32 s0, v7;
	v6 =	vld [tilespmem:s20+$0x30]  }
.Ltmp1:
0x111: {  	[tilespmem:s20+$0xFFFFFFC0] =	vst v0;
	v5 =	vmul.f32 s0, v5;
	v0 =	vld [tilespmem:s20+$0x40];
	(pc) =	sbr.rel @p0 .LBB2_5-.Ltmp1, $4  }
0x112: {  	[tilespmem:s20+$0xFFFFFFD0] =	vst v1;
	v2 =	vmul.f32 s2, v2;
	v1 =	vld [tilespmem:s20+$0x50]  }
0x113: {  	[tilespmem:s20+$0xFFFFFFE0] =	vst v5;
	v7 =	vmul.f32 s2, v3;
	s1 =	sld [smem:s22+$0x1];
	v3 =	vld [tilespmem:s20+$0x60]  }
0x114: {  	[tilespmem:s20+$0x0] =	vst v2;
	v5 =	vmul.f32 s2, v4;
	v4 =	vld [tilespmem:s20+$0x70]  }
0x115: {  	s20 =	sadd.s32 $0x100, s20;
	v2 =	vld [tilespmem:s19+$0xFFFFFFF0];
	[tilespmem:s19+$0x10] =	vst v7;
	v6 =	vmul.f32 s2, v6  }
0x116: {  	[tilespmem:s19+$0x20] =	vst v5;
	v0 =	vmul.f32 s1, v0  }
0x117: {  	[tilespmem:s19+$0x30] =	vst v6;
	v1 =	vmul.f32 s1, v1  }
0x118: {  	[tilespmem:s19+$0x40] =	vst v0;
	v61 =	vmul.f32 s1, v3  }
0x119: {  	[tilespmem:s19+$0x50] =	vst v1;
	v62 =	vmul.f32 s1, v4  }
0x11a: {  	v2 =	vmul.f32 s0, v2;
	[tilespmem:s19+$0x60] =	vst v61  }
0x11b: {  	s18 =	rddreg [dreg:$0xb];
	[tilespmem:s19+$0x70] =	vst v62  }
0x11c: {  	s20 =	simm.s32 $0x0;
	s0 =	sshll.u32 s18, $0x3;
	[tilespmem:s19+$0xFFFFFFF0] =	vst v2;
	s19 =	rddreg [dreg:$0x2]  }
0x11d: {  	s2 =	simm.s32 $0x400;
	s21 =	rddreg [dreg:$0xc];
	s0 =	sadd.s32 s19, s0  }
0x11e: {  	[hbm4b:s0+s20] =	stream.linear.scatter [tilespmem:s2], [sflag:$0x2], $0x8000, $0x38;
	[tilespmem:$0x10400] =	vst v63  }
0x11f: {  	s0 =	sor.u32 $0x1, s21  }
0x120: {  	s23 =	rddreg [dreg:$0x4];
	s24 =	simm.s32 $0x2;
	s22 =	sshll.u32 s0, $0x9  }
0x121: {  	_ =	swait.ge [sflag:s24], $0x8000;
	s1 =	sadd.s32 s23, s22  }
0x122: {  	p0 =	sgt.u32 s0, $0x30;
	[sflag:s24] =	ssyncset.done $0x0;
	[dreg:$0xa] =	wrdreg s1  }
0x123: {  	s0 =	sshrl.u32 @!p0 s1, $0x3;
	s1 =	rddreg [dreg:$0x0]  }
0x124: {  	s0 =	sadd.s32 @!p0 s1, s0  }
0x125: {  	[sflag:s24] =	ssyncadd.s32 $0xFFFF8000;
	s1 =	simm.s32 @!p0 $0x0;
	s0 =	sadd.s32 @!p0 $0x40, s0  }
0x126: {  	[tilespmem:s1], [sflag:$0x3] =	stream.linear.gather @!p0 [hbm4b:s0+s1], $0x200, $0x38;
	[tilespmem:$0x10400] =	vst v63  }
0x127: {  	s0 =	simm.s32 @!p0 $0x3  }
0x128: {  	_ =	swait.ge @!p0 [sflag:s0], $0x200  }
0x129: {  	s25 =	simm.s32 $0x1;
	s2 =	simm.s32 @!p0 $0x400;
	[sflag:s0] =	ssyncset.done @!p0 $0x0  }
0x12a: {  	s3 =	rddreg [dreg:$0x5];
	[sflag:s0] =	ssyncadd.s32 @!p0 $0xFFFFFE00;
	s0 =	simm.s32 @!p0 $0x200  }
0x12b: {  	[tilespmem:s2], [sflag:$0x1] =	stream.indirect.gather @!p0 [hbm4b:s3+s0], $0x40, s1, s0, $0xb8;
	[tilespmem:$0x10400] =	vst v63  }
0x12c: {  	_ =	swait.ge [sflag:s25], $0x8000  }
0x12d: {  	[sflag:s25] =	ssyncset.done $0x0  }
0x12e: {  	s19 =	simm.s32 $0x8480;
	[sflag:s25] =	ssyncadd.s32 $0xFFFF8000  }
0x12f: {  	v63 =	vld [tilespmem:s19+$0x50]  }
0x130: {  	v9 =	vld [tilespmem:s19+$0x40]  }
0x131: {  	v10 =	vld [tilespmem:s19+$0x10]  }
0x132: {  	v11 =	vld [tilespmem:s19+$0x0]  }
0x133: {  	v12 =	vld [tilespmem:s19+$0x60]  }
0x134: {  	v13 =	vld [tilespmem:s19+$0x20]  }
0x135: {  	v14 =	vld [tilespmem:s19+$0x70]  }
0x136: {  	v7 =	vld [tilespmem:s19+$0x30];
	v0 =	vmul.f32 v63, v63;
	v1 =	vmul.f32 v9, v9  }
0x137: {  	v2 =	vmul.f32 v10, v10;
	v3 =	vmul.f32 v11, v11  }
0x138: {  	v4 =	vmul.f32 v12, v12;
	v0 =	vadd.f32 v0, v1  }
0x139: {  	v16 =	vmul.f32 v13, v13;
	v15 =	vadd.f32 v2, v3  }
0x13a: {  	v17 =	vmul.f32 v14, v14;
	v0 =	vadd.f32 v4, v0  }
0x13b: {  	v19 =	vld [tilespmem:s19+$0xFFFFFFC0];
	v18 =	vmul.f32 v7, v7;
	v1 =	vadd.f32 v16, v15  }
0x13c: {  	v20 =	vld [tilespmem:s19+$0xFFFFFFD0];
	v0 =	vadd.f32 v17, v0  }
0x13d: {  	v21 =	vld [tilespmem:s19+$0xFFFFFF80];
	v1 =	vadd.f32 v18, v1  }
0x13e: {  	v22 =	vld [tilespmem:s19+$0xFFFFFFE0];
	(xrf2) =	vadd.scan.msk.f32 $0xffff, v0  }
0x13f: {  	v24 =	vld [tilespmem:s19+$0xFFFFFF90];
	(xrf2) =	vadd.scan.msk.f32 $0xffff, v1  }
0x140: {  	v23 =	vld [tilespmem:s19+$0xFFFFFFF0]  }
0x141: {  	v25 =	vld [tilespmem:s19+$0xFFFFFFA0]  }
0x142: {  	v0 =	vmul.f32 v19, v19;
	v1 =	vmul.f32 v20, v20  }
0x143: {  	v29 =	vld [tilespmem:s19+$0xFFFFFFB0];
	v27 =	vmul.f32 v22, v22  }
0x144: {  	v31 =	vmul.f32 v24, v24;
	v2 =	vmul.f32 v21, v21;
	v0 =	vadd.f32 v1, v0  }
0x145: {  	v30 =	vmul.f32 v23, v23  }
0x146: {  	v32 =	vmul.f32 v25, v25;
	v2 =	vadd.f32 v31, v2;
	v0 =	vadd.f32 v27, v0;
	_ =	sdelay $0x1  }
0x147: {  	v33 =	vmul.f32 v29, v29;
	v1 =	vadd.f32 v32, v2;
	v0 =	vadd.f32 v30, v0;
	v26, _, _ =	vpop (xrf2)  }
0x148: {  	(v2sf) =	vpush v26, $0xF;
	v28, _, _ =	vpop (xrf2)  }
0x149: {  	v34 =	vadd.f32 v33, v1;
	(xrf2) =	vadd.scan.msk.f32 $0xffff, v0;
	(v2sf) =	vpush v28, $0xF;
	_ =	sdelay $0x1  }
0x14a: {  	(xrf2) =	vadd.scan.msk.f32 $0xffff, v34;
	_ =	sdelay $0x7  }
0x14b: {  	v35, _, _ =	vpop (xrf2)  }
0x14c: {  	s20 =	simm.s32 $0x8580;
	(v2sf) =	vpush v35, $0xF  }
0x14d: {  	v37 =	vld [tilespmem:s20+$0x50];
	v36, _, _ =	vpop (xrf2)  }
0x14e: {  	v38 =	vld [tilespmem:s20+$0x40];
	(v2sf) =	vpush v36, $0xF  }
0x14f: {  	s0 =	spop (v2sf)  }
0x150: {  	v39 =	vld [tilespmem:s20+$0x60];
	s26 =	spop (v2sf);
	s4 =	sshra.s32 s0, $0x1  }
0x151: {  	s11 =	sshra.s32 s26, $0x1;
	s4 =	ssub.s32 $0x5F3759DF, s4  }
0x152: {  	v41 =	vld [tilespmem:s20+$0x70];
	s1 =	ssub.s32 $0x5F3759DF, s11;
	s5 =	smul.f32 s4, s0  }
0x153: {  	v1 =	vmul.f32 v37, v37;
	v0 =	vmul.f32 v38, v38;
	s12 =	smul.f32 s1, s26  }
0x154: {  	s5 =	smul.f32 $5.000000000e-01, s5  }
0x155: {  	v40 =	vld [tilespmem:s20+$0xFFFFFF80];
	v2 =	vmul.f32 v39, v39;
	v0 =	vadd.f32 v1, v0;
	s3 =	smul.f32 $5.000000000e-01, s12  }
0x156: {  	v42 =	vld [tilespmem:s20+$0x10];
	s13 =	smul.f32 s4, s5  }
0x157: {  	v43 =	vld [tilespmem:s20+$0x0];
	v4 =	vmul.f32 v41, v41;
	v0 =	vadd.f32 v2, v0;
	s3 =	smul.f32 s1, s3  }
0x158: {  	v44 =	vld [tilespmem:s20+$0x20];
	s6 =	ssub.f32 $1.500000000e+00, s13  }
0x159: {  	v45 =	vld [tilespmem:s20+$0xFFFFFFC0];
	v0 =	vadd.f32 v4, v0;
	s3 =	ssub.f32 $1.500000000e+00, s3  }
0x15a: {  	v8 =	vld [tilespmem:s20+$0xFFFFFFD0];
	s4 =	smul.f32 s4, s6  }
0x15b: {  	v9 =	vld [tilespmem:s20+$0xFFFFFFE0];
	(xrf2) =	vadd.scan.msk.f32 $0xffff, v0;
	s15 =	spop (v2sf);
	s3 =	smul.f32 s1, s3  }
0x15c: {  	v46 =	vld [tilespmem:s20+$0x30];
	s16 =	sshra.s32 s15, $0x1;
	s7 =	smul.f32 s4, s0  }
0x15d: {  	v48 =	vld [tilespmem:s20+$0xFFFFFF90];
	v5 =	vmul.f32 v42, v42;
	v47 =	vmul.f32 v43, v43;
	s9 =	spop (v2sf);
	s6 =	ssub.s32 $0x5F3759DF, s16;
	s14 =	smul.f32 s3, s26  }
0x15e: {  	v10 =	vld [tilespmem:s20+$0xFFFFFFF0];
	v50 =	vmul.f32 v44, v44;
	s10 =	sshra.s32 s9, $0x1;
	s8 =	smul.f32 s6, s15  }
0x15f: {  	v51 =	vld [tilespmem:s20+$0xFFFFFFA0];
	v52 =	vmul.f32 v8, v8;
	v49 =	vadd.f32 v5, v47;
	v1 =	vmul.f32 v45, v45;
	s18 =	ssub.s32 $0x5F3759DF, s10;
	s7 =	smul.f32 $5.000000000e-01, s7  }
0x160: {  	v54 =	vmul.f32 v9, v9;
	s10 =	smul.f32 s18, s9  }
0x161: {  	v53 =	vld [tilespmem:s20+$0xFFFFFFB0];
	v2 =	vmul.f32 v46, v46;
	v1 =	vadd.f32 v52, v1;
	v0 =	vadd.f32 v50, v49;
	s5 =	smul.f32 $5.000000000e-01, s14  }
0x162: {  	v6 =	vmul.f32 v48, v48;
	v3 =	vmul.f32 v40, v40;
	s8 =	smul.f32 $5.000000000e-01, s8  }
0x163: {  	v55 =	vmul.f32 v10, v10;
	v1 =	vadd.f32 v54, v1;
	v0 =	vadd.f32 v2, v0;
	s7 =	smul.f32 s7, s4  }
0x164: {  	v5 =	vmul.f32 v51, v51;
	v3 =	vadd.f32 v6, v3;
	s5 =	smul.f32 s5, s3  }
0x165: {  	v56 =	vadd.f32 v55, v1;
	(xrf2) =	vadd.scan.msk.f32 $0xffff, v0;
	v60, _, _ =	vpop (xrf2);
	s8 =	smul.f32 s6, s8;
	s7 =	ssub.f32 $1.500000000e+00, s7  }
0x166: {  	v57 =	vmul.f32 v53, v53;
	v58 =	vadd.f32 v5, v3;
	(v2sf) =	vpush v60, $0xF;
	s21 =	smul.f32 $5.000000000e-01, s10;
	s5 =	ssub.f32 $1.500000000e+00, s5  }
0x167: {  	(xrf2) =	vadd.scan.msk.f32 $0xffff, v56;
	s8 =	ssub.f32 $1.500000000e+00, s8;
	s4 =	smul.f32 s7, s4  }
0x168: {  	v59 =	vadd.f32 v57, v58;
	s3 =	smul.f32 s5, s3  }
0x169: {  	s22 =	smul.f32 s6, s8  }
0x16a: {  	(xrf2) =	vadd.scan.msk.f32 $0xffff, v59;
	s2 =	smul.f32 s3, s26  }
0x16b: {  	s3 =	smul.f32 s18, s21  }
0x16c: {  	s24 =	smul.f32 s22, s15  }
0x16d: {  	s3 =	ssub.f32 $1.500000000e+00, s3;
	s2 =	smul.f32 $1.001001000e+00, s2  }
0x16e: {  	s25 =	smul.f32 $5.000000000e-01, s24  }
0x16f: {  	v61, _, _ =	vpop (xrf2);
	s3 =	smul.f32 s18, s3;
	s2 =	smin.f32 s2, $1.000000000e+00  }
0x170: {  	(v2sf) =	vpush v61, $0xF;
	s16 =	sadd.f32 $9.999999930e-09, s2;
	s2 =	smul.f32 s25, s22  }
0x171: {  	v62, _, _ =	vpop (xrf2);
	s23 =	smul.f32 s3, s9  }
0x172: {  	(v2sf) =	vpush v62, $0xF;
	s0 =	smul.f32 s4, s0  }
0x173: {  	s14 =	ssub.s32 $0x7EF127EA, s16;
	s2 =	ssub.f32 $1.500000000e+00, s2;
	s6 =	smul.f32 $5.000000000e-01, s23  }
0x174: {  	v63, _, _ =	vpop (xrf2);
	s26 =	smul.f32 s14, s16  }
0x175: {  	(v2sf) =	vpush v63, $0xF;
	s24 =	spop (v2sf);
	s2 =	smul.f32 s2, s22  }
0x176: {  	s7 =	sshra.s32 s24, $0x1;
	s6 =	smul.f32 s6, s3  }
0x177: {  	s7 =	ssub.s32 $0x5F3759DF, s7;
	s1 =	smul.f32 s2, s15  }
0x178: {  	s2 =	smul.f32 s7, s24  }
0x179: {  	s6 =	ssub.f32 $1.500000000e+00, s6;
	s1 =	smul.f32 $1.001001000e+00, s1  }
0x17a: {  	s18 =	ssub.f32 $2.000000000e+00, s26;
	s2 =	smul.f32 $5.000000000e-01, s2  }
0x17b: {  	s3 =	smul.f32 s6, s3  }
0x17c: {  	s6 =	smul.f32 s14, s18  }
0x17d: {  	s30 =	simm.s32 $0x8680;
	s1 =	smin.f32 s1, $1.000000000e+00;
	s3 =	smul.f32 s3, s9  }
0x17e: {  	s29 =	simm.s32 $0x4;
	s12 =	sadd.f32 $9.999999930e-09, s1;
	s9 =	smul.f32 $1.001001000e+00, s0  }
0x17f: {  	s21 =	simm.s32 $0x2;
	s0 =	spop (v2sf);
	s3 =	smul.f32 $1.001001000e+00, s3  }
0x180: {  	s8 =	smul.f32 s7, s2;
	s15 =	sshra.s32 s0, $0x1;
	s11 =	ssub.s32 $0x7EF127EA, s12  }
0x181: {  	s26 =	spop (v2sf);
	s13 =	ssub.s32 $0x5F3759DF, s15;
	s3 =	smin.f32 s3, $1.000000000e+00  }
0x182: {  	s25 =	sshra.s32 s26, $0x1;
	s10 =	smul.f32 s11, s12;
	s3 =	sadd.f32 $9.999999930e-09, s3  }
0x183: {  	s1 =	smin.f32 s9, $1.000000000e+00;
	s5 =	smul.f32 s13, s0;
	s2 =	ssub.s32 $0x5F3759DF, s25  }
0x184: {  	s28 =	spop (v2sf);
	s9 =	smul.f32 s2, s26;
	s4 =	ssub.s32 $0x7EF127EA, s3  }
0x185: {  	s22 =	simm.s32 $0x0;
	s31 =	sadd.f32 $9.999999930e-09, s1;
	s23 =	smul.f32 s4, s3  }
0x186: {  	s1 =	sshra.s32 s28, $0x1;
	s25 =	simm.s32 $0x2;
	s15 =	smul.f32 $5.000000000e-01, s5  }
0x187: {  	s5 =	ssub.s32 $0x7EF127EA, s31;
	s14 =	ssub.f32 $2.000000000e+00, s23;
	s23 =	simm.s32 $0x2  }
.LBB2_7:
0x188: {  	v0 =	vld [tilespmem:s30+$0xFFFFFF80];
	s29 =	sadd.s32 $0x4, s29;
	s16 =	smul.f32 s6, s16;
	s23 =	sadd.s32 $0x4, s23  }
0x189: {  	v1 =	vld [tilespmem:s30+$0x50];
	p0 =	slt.u32 s29, $0x1FC;
	s15 =	smul.f32 s13, s15  }
0x18a: {  	s18 =	smul.f32 s5, s31;
	v2 =	vld [tilespmem:s30+$0x60];
	s16 =	ssub.f32 $2.000000000e+00, s16  }
0x18b: {  	s10 =	ssub.f32 $2.000000000e+00, s10;
	s4 =	smul.f32 s4, s14;
	v3 =	vld [tilespmem:s30+$0x30]  }
0x18c: {  	s14 =	ssub.f32 $2.000000000e+00, s18;
	v4 =	vld [tilespmem:s30+$0x40];
	s6 =	smul.f32 s16, s6  }
0x18d: {  	s10 =	smul.f32 s11, s10;
	v0 =	vmul.f32 v0, v0;
	v5 =	vld [tilespmem:s30+$0x70]  }
0x18e: {  	s5 =	smul.f32 s5, s14;
	v6 =	vld [tilespmem:s30+$0xFFFFFFB0];
	v1 =	vmul.f32 v1, v1  }
0x18f: {  	s11 =	ssub.f32 $1.500000000e+00, s15;
	s14 =	smul.f32 s4, s3;
	v7 =	vld [tilespmem:s30+$0xFFFFFFF0]  }
0x190: {  	s12 =	smul.f32 s10, s12;
	v8 =	vld [tilespmem:s30+$0x10]  }
0x191: {  	s3 =	smul.f32 s13, s11;
	s11 =	ssub.f32 $2.000000000e+00, s14;
	v9 =	vld [tilespmem:s30+$0xFFFFFFA0];
	v4 =	vmul.f32 v4, v4  }
0x192: {  	s12 =	ssub.f32 $2.000000000e+00, s12;
	s13 =	smul.f32 s5, s31;
	v2 =	vmul.f32 v2, v2;
	v10 =	vld [tilespmem:s30+$0x20]  }
0x193: {  	s8 =	ssub.f32 $1.500000000e+00, s8;
	s4 =	smul.f32 s11, s4;
	v11 =	vld [tilespmem:s30+$0x0];
	v1 =	vadd.f32 v1, v4;
	v4 =	vmul.f32 v5, v5  }
0x194: {  	s11 =	sadd.s32 $0xFFFFFFFE, s25;
	s10 =	smul.f32 s12, s10;
	s12 =	ssub.f32 $2.000000000e+00, s13;
	v5 =	vld [tilespmem:s30+$0xFFFFFFC0];
	v7 =	vmul.f32 v7, v7  }
0x195: {  	s13 =	smul.f32 s3, s0;
	v6 =	vmul.f32 v6, v6;
	v12 =	vld [tilespmem:s30+$0xFFFFFFD0];
	v1 =	vadd.f32 v2, v1;
	[smem:s11] =	sst s4;
	s4 =	sadd.s32 $0xFFFFFFFF, s25  }
0x196: {  	v2 =	vld [tilespmem:s30+$0xFFFFFF90];
	v9 =	vmul.f32 v9, v9;
	[smem:s4] =	sst s10;
	s4 =	smul.f32 s12, s5  }
0x197: {  	v8 =	vmul.f32 v8, v8;
	s5 =	smul.f32 $5.000000000e-01, s13;
	v13 =	vld [tilespmem:s30+$0xFFFFFFE0];
	v1 =	vadd.f32 v4, v1;
	[smem:s25] =	sst s6;
	s6 =	sadd.s32 $0x1, s25  }
0x198: {  	s7 =	smul.f32 s7, s8;
	v3 =	vmul.f32 v3, v3;
	s25 =	smov.u32 s23;
	v4 =	vmul.f32 v11, v11;
	[smem:s6] =	sst s4  }
0x199: {  	s4 =	smul.f32 s5, s3;
	v5 =	vmul.f32 v5, v5;
	(xrf2) =	vadd.scan.msk.f32 $0xffff, v1  }
0x19a: {  	s5 =	smul.f32 s7, s24;
	v1 =	vmul.f32 v12, v12;
	v4 =	vadd.f32 v8, v4;
	v8 =	vmul.f32 v10, v10  }
0x19b: {  	s4 =	ssub.f32 $1.500000000e+00, s4;
	v2 =	vmul.f32 v2, v2  }
0x19c: {  	s5 =	smul.f32 $5.000000000e-01, s5;
	v1 =	vadd.f32 v1, v5;
	v5 =	vmul.f32 v13, v13;
	v4 =	vadd.f32 v8, v4  }
0x19d: {  	s1 =	ssub.s32 $0x5F3759DF, s1;
	s3 =	smul.f32 s4, s3;
	v0 =	vadd.f32 v2, v0  }
0x19e: {  	s4 =	smul.f32 s5, s7;
	v1 =	vadd.f32 v5, v1;
	v2 =	vadd.f32 v3, v4  }
0x19f: {  	s5 =	smul.f32 s1, s28;
	v0 =	vadd.f32 v9, v0  }
0x1a0: {  	s0 =	smul.f32 s3, s0;
	v3 =	vadd.f32 v7, v1;
	(xrf2) =	vadd.scan.msk.f32 $0xffff, v2  }
0x1a1: {  	s3 =	smul.f32 $5.000000000e-01, s5;
	v0 =	vadd.f32 v6, v0  }
0x1a2: {  	s5 =	smul.f32 $5.000000000e-01, s9  }
0x1a3: {  	s3 =	smul.f32 s1, s3;
	(xrf2) =	vadd.scan.msk.f32 $0xffff, v3;
	v1, _, _ =	vpop (xrf2)  }
0x1a4: {  	s4 =	ssub.f32 $1.500000000e+00, s4;
	s5 =	smul.f32 s2, s5;
	(v2sf) =	vpush v1, $0xF  }
0x1a5: {  	s0 =	smul.f32 $1.001001000e+00, s0;
	s3 =	ssub.f32 $1.500000000e+00, s3  }
0x1a6: {  	s4 =	smul.f32 s4, s7;
	s5 =	ssub.f32 $1.500000000e+00, s5;
	(xrf2) =	vadd.scan.msk.f32 $0xffff, v0  }
0x1a7: {  	s0 =	smin.f32 s0, $1.000000000e+00;
	s3 =	smul.f32 s1, s3  }
0x1a8: {  	s16 =	sadd.f32 $9.999999930e-09, s0;
	s2 =	smul.f32 s2, s5  }
0x1a9: {  	s0 =	smul.f32 s3, s28  }
0x1aa: {  	s1 =	ssub.s32 $0x7EF127EA, s16;
	s5 =	smul.f32 s2, s26;
	v0, _, _ =	vpop (xrf2)  }
0x1ab: {  	s0 =	smul.f32 $5.000000000e-01, s0;
	(v2sf) =	vpush v0, $0xF  }
0x1ac: {  	s5 =	smul.f32 $5.000000000e-01, s5  }
0x1ad: {  	s0 =	smul.f32 s0, s3;
	v0, _, _ =	vpop (xrf2)  }
0x1ae: {  	s5 =	smul.f32 s5, s2;
	(v2sf) =	vpush v0, $0xF  }
0x1af: {  	s6 =	smul.f32 s1, s16;
	s0 =	ssub.f32 $1.500000000e+00, s0  }
0x1b0: {  	s4 =	smul.f32 s4, s24;
	s5 =	ssub.f32 $1.500000000e+00, s5;
	v0, _, _ =	vpop (xrf2)  }
0x1b1: {  	s0 =	smul.f32 s0, s3;
	(v2sf) =	vpush v0, $0xF  }
0x1b2: {  	s2 =	smul.f32 s5, s2  }
0x1b3: {  	s0 =	smul.f32 s0, s28;
	s24 =	spop (v2sf)  }
0x1b4: {  	s5 =	ssub.f32 $2.000000000e+00, s6;
	s2 =	smul.f32 s2, s26;
	s3 =	sshra.s32 s24, $0x1  }
0x1b5: {  	s0 =	smul.f32 $1.001001000e+00, s0;
	s7 =	ssub.s32 $0x5F3759DF, s3  }
0x1b6: {  	s2 =	smul.f32 $1.001001000e+00, s2  }
0x1b7: {  	s0 =	smin.f32 s0, $1.000000000e+00;
	s6 =	smul.f32 s7, s24  }
0x1b8: {  	s3 =	sadd.f32 $9.999999930e-09, s0;
	s0 =	smin.f32 s2, $1.000000000e+00  }
0x1b9: {  	s2 =	smul.f32 $1.001001000e+00, s4;
	s12 =	sadd.f32 $9.999999930e-09, s0  }
0x1ba: {  	s4 =	ssub.s32 $0x7EF127EA, s3;
	s6 =	smul.f32 $5.000000000e-01, s6;
	s0 =	spop (v2sf)  }
0x1bb: {  	s14 =	smul.f32 s4, s3;
	s11 =	ssub.s32 $0x7EF127EA, s12;
	s8 =	sshra.s32 s0, $0x1  }
0x1bc: {  	s10 =	smul.f32 s11, s12;
	s13 =	ssub.s32 $0x5F3759DF, s8  }
0x1bd: {  	s2 =	smin.f32 s2, $1.000000000e+00;
	s15 =	smul.f32 s13, s0  }
.Ltmp2:
0x1be: {  	s26 =	spop (v2sf);
	(pc) =	sbr.rel @p0 .LBB2_7-.Ltmp2, $4  }
0x1bf: {  	s31 =	sadd.f32 $9.999999930e-09, s2;
	s8 =	smul.f32 s7, s6;
	s9 =	sshra.s32 s26, $0x1  }
0x1c0: {  	s30 =	sadd.s32 $0x100, s30;
	s6 =	smul.f32 s1, s5;
	s2 =	ssub.s32 $0x5F3759DF, s9  }
0x1c1: {  	s5 =	ssub.s32 $0x7EF127EA, s31;
	s9 =	smul.f32 s2, s26;
	s28 =	spop (v2sf)  }
0x1c2: {  	s14 =	ssub.f32 $2.000000000e+00, s14;
	s15 =	smul.f32 $5.000000000e-01, s15;
	s1 =	sshra.s32 s28, $0x1  }
0x1c3: {  	s16 =	smul.f32 s6, s16  }
0x1c4: {  	s18 =	smul.f32 s5, s31  }
0x1c5: {  	s9 =	smul.f32 $5.000000000e-01, s9  }
0x1c6: {  	s10 =	ssub.f32 $2.000000000e+00, s10;
	s15 =	smul.f32 s13, s15  }
0x1c7: {  	s14 =	smul.f32 s4, s14  }
0x1c8: {  	s10 =	smul.f32 s11, s10  }
0x1c9: {  	s16 =	ssub.f32 $2.000000000e+00, s16;
	s9 =	smul.f32 s2, s9  }
0x1ca: {  	s3 =	smul.f32 s14, s3  }
0x1cb: {  	s29 =	ssub.f32 $1.500000000e+00, s15;
	s4 =	smul.f32 s16, s6  }
0x1cc: {  	s16 =	ssub.f32 $2.000000000e+00, s18;
	s11 =	smul.f32 s10, s12  }
0x1cd: {  	s6 =	smul.f32 s13, s29;
	s3 =	ssub.f32 $2.000000000e+00, s3  }
0x1ce: {  	s18 =	smul.f32 s5, s16  }
0x1cf: {  	s3 =	smul.f32 s3, s14  }
0x1d0: {  	s11 =	ssub.f32 $2.000000000e+00, s11;
	s13 =	smul.f32 s6, s0  }
0x1d1: {  	s30 =	smul.f32 s18, s31  }
0x1d2: {  	s31 =	ssub.f32 $1.500000000e+00, s8;
	s8 =	smul.f32 s11, s10  }
0x1d3: {  	s13 =	smul.f32 $5.000000000e-01, s13  }
0x1d4: {  	s1 =	ssub.s32 $0x5F3759DF, s1;
	s14 =	smul.f32 s7, s31  }
0x1d5: {  	s15 =	ssub.f32 $2.000000000e+00, s30;
	s30 =	smul.f32 s1, s28  }
0x1d6: {  	s10 =	smul.f32 s13, s6  }
0x1d7: {  	s16 =	smul.f32 s14, s24  }
0x1d8: {  	s7 =	smul.f32 s15, s18;
	s18 =	ssub.f32 $1.500000000e+00, s10  }
0x1d9: {  	s29 =	smul.f32 $5.000000000e-01, s16  }
0x1da: {  	s5 =	smul.f32 s18, s6  }
0x1db: {  	s6 =	smul.f32 $5.000000000e-01, s30  }
0x1dc: {  	s10 =	smul.f32 s29, s14  }
0x1dd: {  	s9 =	ssub.f32 $1.500000000e+00, s9;
	s6 =	smul.f32 s1, s6  }
0x1de: {  	s31 =	smul.f32 s5, s0  }
0x1df: {  	s11 =	smul.f32 s2, s9;
	s10 =	ssub.f32 $1.500000000e+00, s10  }
0x1e0: {  	s6 =	ssub.f32 $1.500000000e+00, s6;
	s0 =	smul.f32 $1.001001000e+00, s31  }
0x1e1: {  	s10 =	smul.f32 s10, s14  }
0x1e2: {  	s1 =	smul.f32 s1, s6  }
0x1e3: {  	s6 =	smul.f32 s11, s26  }
0x1e4: {  	s9 =	smul.f32 s10, s24  }
0x1e5: {  	s5 =	smul.f32 s1, s28  }
0x1e6: {  	s0 =	smin.f32 s0, $1.000000000e+00;
	s6 =	smul.f32 $5.000000000e-01, s6  }
0x1e7: {  	s0 =	sadd.f32 $9.999999930e-09, s0;
	s5 =	smul.f32 $5.000000000e-01, s5  }
0x1e8: {  	s6 =	smul.f32 s6, s11  }
0x1e9: {  	s12 =	ssub.s32 $0x7EF127EA, s0;
	s5 =	smul.f32 s5, s1  }
0x1ea: {  	s13 =	smul.f32 $1.001001000e+00, s9;
	s6 =	ssub.f32 $1.500000000e+00, s6  }
0x1eb: {  	s14 =	smul.f32 s12, s0;
	s5 =	ssub.f32 $1.500000000e+00, s5  }
0x1ec: {  	s2 =	smul.f32 s6, s11  }
0x1ed: {  	s1 =	smul.f32 s5, s1  }
0x1ee: {  	s2 =	smul.f32 s2, s26  }
0x1ef: {  	s1 =	smul.f32 s1, s28  }
0x1f0: {  	s2 =	smul.f32 $1.001001000e+00, s2  }
0x1f1: {  	s1 =	smul.f32 $1.001001000e+00, s1  }
0x1f2: {  	s9 =	ssub.f32 $2.000000000e+00, s14;
	s2 =	smin.f32 s2, $1.000000000e+00  }
0x1f3: {  	s2 =	sadd.f32 $9.999999930e-09, s2;
	s1 =	smin.f32 s1, $1.000000000e+00  }
0x1f4: {  	s6 =	smin.f32 s13, $1.000000000e+00;
	s1 =	sadd.f32 $9.999999930e-09, s1  }
0x1f5: {  	s6 =	sadd.f32 $9.999999930e-09, s6;
	s5 =	smul.f32 s12, s9;
	s18 =	ssub.s32 $0x7EF127EA, s2  }
0x1f6: {  	s24 =	smul.f32 s18, s2;
	s15 =	ssub.s32 $0x7EF127EA, s1  }
0x1f7: {  	s26 =	ssub.s32 $0x7EF127EA, s6;
	s16 =	smul.f32 s15, s1  }
0x1f8: {  	s28 =	smul.f32 s26, s6;
	s29 =	ssub.f32 $2.000000000e+00, s24  }
0x1f9: {  	s0 =	smul.f32 s5, s0;
	s11 =	ssub.f32 $2.000000000e+00, s16  }
0x1fa: {  	s30 =	sadd.s32 $0xFFFFFFFE, s25;
	s31 =	ssub.f32 $2.000000000e+00, s28;
	s9 =	smul.f32 s18, s29  }
0x1fb: {  	[smem:s30] =	sst s3;
	s10 =	smul.f32 s15, s11  }
0x1fc: {  	s0 =	ssub.f32 $2.000000000e+00, s0;
	s16 =	smul.f32 s26, s31;
	s15 =	sadd.s32 $0xFFFFFFFF, s25  }
0x1fd: {  	[smem:s15] =	sst s8;
	s1 =	smul.f32 s10, s1  }
0x1fe: {  	s2 =	smul.f32 s9, s2;
	[smem:s25] =	sst s4  }
0x1ff: {  	s24 =	smul.f32 s16, s6;
	s1 =	ssub.f32 $2.000000000e+00, s1  }
0x200: {  	s18 =	sadd.s32 $0x1, s25;
	s2 =	ssub.f32 $2.000000000e+00, s2  }
0x201: {  	s25 =	sadd.s32 $0x4, s23;
	s4 =	ssub.f32 $2.000000000e+00, s24;
	s1 =	smul.f32 s1, s10  }
0x202: {  	[smem:s18] =	sst s7;
	s26 =	sadd.s32 $0xFFFFFFFE, s25;
	s2 =	smul.f32 s2, s9  }
0x203: {  	s0 =	smul.f32 s0, s5;
	s28 =	sadd.s32 $0xFFFFFFFF, s25;
	[smem:s26] =	sst s1  }
0x204: {  	s29 =	smul.f32 s4, s16;
	[smem:s28] =	sst s2  }
0x205: {  	v0 =	vld [tilespmem:s19+$0xFFFFFF80];
	s30 =	sadd.s32 $0x1, s25;
	[smem:s25] =	sst s0  }
0x206: {  	v1 =	vld [tilespmem:s19+$0xFFFFFF90];
	[smem:s30] =	sst s29  }
0x207: {  	s1 =	sld [smem:$0x0];
	v2 =	vld [tilespmem:s19+$0xFFFFFFA0]  }
0x208: {  	v3 =	vld [tilespmem:s19+$0xFFFFFFB0]  }
0x209: {  	v4 =	vld [tilespmem:s19+$0xFFFFFFC0]  }
0x20a: {  	v5 =	vld [tilespmem:s19+$0xFFFFFFD0];
	v0 =	vmul.f32 s1, v0  }
0x20b: {  	s0 =	sld [smem:$0x1];
	v6 =	vld [tilespmem:s19+$0xFFFFFFE0];
	v1 =	vmul.f32 s1, v1  }
0x20c: {  	[tilespmem:s19+$0xFFFFFF80] =	vst v0;
	v0 =	vmul.f32 s1, v2  }
0x20d: {  	v2 =	vld [tilespmem:s19+$0x0];
	[tilespmem:s19+$0xFFFFFF90] =	vst v1;
	v1 =	vmul.f32 s1, v3  }
0x20e: {  	v3 =	vld [tilespmem:s19+$0x10];
	[tilespmem:s19+$0xFFFFFFA0] =	vst v0;
	v0 =	vmul.f32 s0, v4  }
0x20f: {  	s31 =	sld [smem:$0x2];
	v4 =	vld [tilespmem:s19+$0x20];
	[tilespmem:s19+$0xFFFFFFB0] =	vst v1;
	v1 =	vmul.f32 s0, v5  }
0x210: {  	v7 =	vld [tilespmem:s19+$0x30];
	v5 =	vmul.f32 s0, v6;
	[tilespmem:s19+$0xFFFFFFC0] =	vst v0  }
0x211: {  	v0 =	vld [tilespmem:s19+$0x40];
	[tilespmem:s19+$0xFFFFFFD0] =	vst v1  }
0x212: {  	v1 =	vld [tilespmem:s19+$0x50];
	[tilespmem:s19+$0xFFFFFFE0] =	vst v5;
	v2 =	vmul.f32 s31, v2  }
0x213: {  	s1 =	sld [smem:$0x3];
	v6 =	vmul.f32 s31, v3;
	v3 =	vld [tilespmem:s19+$0x60]  }
0x214: {  	[tilespmem:s19+$0x0] =	vst v2;
	v5 =	vmul.f32 s31, v4;
	v4 =	vld [tilespmem:s19+$0x70]  }
0x215: {  	v2 =	vld [tilespmem:s19+$0xFFFFFFF0];
	[tilespmem:s19+$0x10] =	vst v6;
	v6 =	vmul.f32 s31, v7  }
.LBB2_9:
0x216: {  	v7 =	vld [tilespmem:s20+$0xFFFFFF80];
	[tilespmem:s19+$0x20] =	vst v5;
	v0 =	vmul.f32 s1, v0  }
0x217: {  	s21 =	sadd.s32 $0x4, s21;
	v5 =	vld [tilespmem:s20+$0xFFFFFF90];
	[tilespmem:s19+$0x30] =	vst v6;
	v1 =	vmul.f32 s1, v1  }
0x218: {  	s2 =	sld [smem:s21+$0xFFFFFFFE];
	v6 =	vld [tilespmem:s20+$0xFFFFFFA0];
	[tilespmem:s19+$0x40] =	vst v0;
	v0 =	vmul.f32 s1, v3  }
0x219: {  	v3 =	vld [tilespmem:s20+$0xFFFFFFB0];
	[tilespmem:s19+$0x50] =	vst v1;
	v1 =	vmul.f32 s1, v4  }
0x21a: {  	v4 =	vld [tilespmem:s20+$0xFFFFFFC0];
	v2 =	vmul.f32 s0, v2;
	[tilespmem:s19+$0x60] =	vst v0  }
0x21b: {  	v0 =	vmul.f32 s2, v7;
	v7 =	vld [tilespmem:s20+$0xFFFFFFD0];
	[tilespmem:s19+$0x70] =	vst v1  }
0x21c: {  	v1 =	vmul.f32 s2, v5;
	s0 =	sld [smem:s21+$0xFFFFFFFF];
	v5 =	vld [tilespmem:s20+$0xFFFFFFE0];
	[tilespmem:s19+$0xFFFFFFF0] =	vst v2;
	s19 =	smov.u32 s20  }
0x21d: {  	[tilespmem:s20+$0xFFFFFF80] =	vst v0;
	v0 =	vmul.f32 s2, v6;
	v2 =	vld [tilespmem:s20+$0x0]  }
0x21e: {  	[tilespmem:s20+$0xFFFFFF90] =	vst v1;
	v1 =	vmul.f32 s2, v3;
	v3 =	vld [tilespmem:s20+$0x10]  }
0x21f: {  	s22 =	sadd.s32 $0x4, s22;
	[tilespmem:s20+$0xFFFFFFA0] =	vst v0;
	v0 =	vmul.f32 s0, v4;
	s2 =	sld [smem:s21+$0x0];
	v4 =	vld [tilespmem:s20+$0x20]  }
0x220: {  	p0 =	slt.u32 s22, $0x1FC;
	[tilespmem:s20+$0xFFFFFFB0] =	vst v1;
	v1 =	vmul.f32 s0, v7;
	v6 =	vld [tilespmem:s20+$0x30]  }
.Ltmp3:
0x221: {  	[tilespmem:s20+$0xFFFFFFC0] =	vst v0;
	v5 =	vmul.f32 s0, v5;
	v0 =	vld [tilespmem:s20+$0x40];
	(pc) =	sbr.rel @p0 .LBB2_9-.Ltmp3, $4  }
0x222: {  	[tilespmem:s20+$0xFFFFFFD0] =	vst v1;
	v2 =	vmul.f32 s2, v2;
	v1 =	vld [tilespmem:s20+$0x50]  }
0x223: {  	[tilespmem:s20+$0xFFFFFFE0] =	vst v5;
	v7 =	vmul.f32 s2, v3;
	s1 =	sld [smem:s21+$0x1];
	v3 =	vld [tilespmem:s20+$0x60]  }
0x224: {  	[tilespmem:s20+$0x0] =	vst v2;
	v5 =	vmul.f32 s2, v4;
	v4 =	vld [tilespmem:s20+$0x70]  }
0x225: {  	s20 =	sadd.s32 $0x100, s20;
	v2 =	vld [tilespmem:s19+$0xFFFFFFF0];
	[tilespmem:s19+$0x10] =	vst v7;
	v6 =	vmul.f32 s2, v6  }
0x226: {  	[tilespmem:s19+$0x20] =	vst v5;
	v0 =	vmul.f32 s1, v0  }
0x227: {  	s17 =	sadd.s32 $0x1, s17;
	[tilespmem:s19+$0x30] =	vst v6;
	v1 =	vmul.f32 s1, v1  }
0x228: {  	p0 =	sne.s32 s17, $0x19;
	[tilespmem:s19+$0x40] =	vst v0;
	v62 =	vmul.f32 s1, v3  }
.Ltmp4:
0x229: {  	s30 =	rddreg [dreg:$0xa];
	[tilespmem:s19+$0x50] =	vst v1;
	v63 =	vmul.f32 s1, v4;
	(pc) =	sbr.rel @p0 .LBB2_2-.Ltmp4, $4  }
0x22a: {  	v2 =	vmul.f32 s0, v2;
	[tilespmem:s19+$0x60] =	vst v62;
	s0 =	sshll.u32 s30, $0x3  }
0x22b: {  	s31 =	rddreg [dreg:$0x2];
	[tilespmem:s19+$0x70] =	vst v63;
	s0 =	sand.u32 $0x1FFFF000, s0  }
0x22c: {  	s5 =	simm.s32 $0x0;
	s3 =	simm.s32 $0x8400;
	[tilespmem:s19+$0xFFFFFFF0] =	vst v2;
	s0 =	sadd.s32 s31, s0  }
0x22d: {  	[hbm4b:s0+s5] =	stream.linear.scatter [tilespmem:s3], [sflag:$0x2], $0x8000, $0x38;
	[tilespmem:$0x10400] =	vst v63  }
0x22e: {  	s1 =	simm.s32 $0x2  }
0x22f: {  	_ =	swait.ge [sflag:s1], $0x8000  }
0x230: {  	s2 =	rddreg [dreg:$0x9]  }
0x231: {  	s0 =	rddreg [dreg:$0x8];
	s2 =	sadd.s32 $0x1, s2  }
0x232: {  	p0 =	sne.s32 s2, s0  }
.Ltmp5:
0x233: {  	_ = 	snop;
	(pc) =	sbr.rel @p0 .LBB2_1-.Ltmp5, $3  }
0x234: {  	_ =	sdelay $0x1  }
0x235: {  	[sflag:s1] =	ssyncset.done $0x0  }
0x236: {  	[sflag:s1] =	ssyncadd.s32 $0xFFFF8000  }
0x237: {  	_ =	sfence.sel $0x180000  }
0x238: {  	[bflag:$0x0] =	sbarrier.arrive $0xFFFF  }
0x239: {  	_ =	strace $0x90000047  }
0x23a: {  	s0 =	stileid.u32;
	[bflag:$0x2] =	sbarrier.arrive $0xFFFF  }
0x23b: {  	p0 =	sne.s32 s0, $0x0;
	s0 =	rddreg [dreg:$0x3]  }
0x23c: {  	s0 =	sadd.s32 @!p0 $0x100000, s0  }
0x23d: {  	[sflag:s0] =	ssyncadd.tile.s32 @!p0 $0x1;
	_ =	shalt  }
.Lfunc_end2:
_tile_overlayer_lowered:
.L_overlay_start_2:
0x23e: {  	(tag) =	ssettag $0x2  }
0x23f: {  	s0 =	rddreg [dreg:$0x0];
	s2 =	stileid.u32  }
0x240: {  	s1 =	rddreg [dreg:$0x1];
	p0 =	sne.s32 s2, $0x0  }
0x241: {  	s3 =	rddreg [dreg:$0x2];
	[bflag:$0x3] =	sbarrier.arrive $0xFFFF;
	s2 =	simm.s32 @!p0 $0x1C03  }
0x242: {  	[timem:s3], [sflag:s2] =	dma.local @!p0 [hbm:s0], s1  }
0x243: {  	s0 =	simm.s32 @!p0 $0x3  }
0x244: {  	_ =	swait.ge @!p0 [sflag:s0], s1  }
0x245: {  	s1 =	ssub.s32 @!p0 $0x0, s1;
	[sflag:s0] =	ssyncset.done @!p0 $0x0  }
0x246: {  	[sflag:s0] =	ssyncadd.s32 @!p0 s1  }
0x247: {  	[bflag:$0x3] =	sbarrier.arrive $0xFFFF  }
0x248: {  	_ =	shalt  }

// kernel: sparse-core-data-format-call.cloned.1.call-start
scs
called_computation_lowered:
.L_overlay_start_0:
0x0: {  	s2 =	sld [smem:$0x3FD9]  }
0x1: {  	s3 =	sld [smem:$0x3FFE];
	_ =	sdelay $0x1  }
0x2: {  	s1 =	srdreg.scid  }
0x3: {  	s0 =	sand.u32 $0x1, s1  }
0x4: {  	s18 =	sshll.u32 s0, $0xA;
	s2 =	sadd.s32 s3, s2  }
0x5: {  	s2 =	sadd.s32 s2, s18  }
0x6: {  	[smem:$0x3FC6] =	sst s2  }
0x7: {  	_ = 	snop  }
0x8: {  	s2 =	sld [smem:$0x3FD0];
	(tm) =	ssettm $0x1  }
0x9: {  	s19 =	sld [smem:$0x3FFB];
	_ =	sdelay $0x3  }
0xa: {  	_ =	strace s19  }
0xb: {  	s3 =	sld [smem:$0x3FFC];
	_ =	sdelay $0x3  }
0xc: {  	_ =	strace s3  }
0xd: {  	s3 =	sld [smem:$0x3FFD];
	_ =	sdelay $0x3  }
0xe: {  	_ =	strace s3  }
0xf: {  	_ =	strace $0x8FFFFFFF  }
0x10: {  	s20 =	sld [smem:$0x3FDB];
	_ =	sdelay $0x1  }
0x11: {  	s4 =	simm.s32 $_scs_section_size  }
0x12: {  	s5 =	simm.s32 $_size__tile_overlayer_lowered;
	s6 =	simm.s32 $_tile_overlayer_lowered  }
0x13: {  	s23 =	simm.s32 $0x1BFF;
	s22 =	sshll.u32 s6, $0x1;
	s3 =	sadd.s32 s4, s20  }
0x14: {  	s7 =	simm.s32 $0x0;
	s21 =	sshll.u32 s5, $0x1;
	s5 =	sadd.s32 s22, s3  }
0x15: {  	[timem:s7], [sflag:s23] =	dma.local [hbm:s5], s21  }
0x16: {  	_ =	swait.ge [sflag:s23], s21  }
0x17: {  	s4 =	ssub.s32 $0x0, s21;
	[sflag:s23] =	ssyncset.done $0x0  }
0x18: {  	[sflag:s23] =	ssyncadd.s32 s4;
	_ =	sdelay $0x1  }
0x19: {  	s24 =	simm.s32 $0x1B8B  }
0x1a: {  	_ =	swait.ge [sflag:s24], $0x1  }
0x1b: {  	[sflag:s24] =	ssyncset.done $0x0  }
0x1c: {  	s26 =	simm.s32 $0x1B8E;
	s25 =	sld [smem:$0x3FFE];
	[sflag:s24] =	ssyncadd.s32 $0xFFFFFFFF  }
0x1d: {  	s27 =	simm.s32 $execute0_lowered;
	[smem:$0x3FD2] =	sst s26  }
0x1e: {  	s5 =	sshll.u32 s27, $0x1;
	_ =	strace $0x80000049;
	[dreg:$0x1] =	wrdreg $0xFFFFFFFF  }
0x1f: {  	s28 =	simm.s32 $_size_execute0_lowered;
	s3 =	sadd.s32 s3, s5;
	[dreg:$0x0] =	wrdreg $0x0  }
0x20: {  	s5 =	sshll.u32 s28, $0x1;
	[dreg:$0x2] =	wrdreg s3  }
0x21: {  	[dreg:$0x3] =	wrdreg s5  }
0x22: {  	[dreg:$0x4] =	wrdreg $0xC0  }
0x23: {  	_ =	task [dreg:s7], $0x5FFFF  }
0x24: {  	[dreg:$0x1] =	wrdreg $0xFFFFFFFF  }
0x25: {  	[dreg:$0x0] =	wrdreg $0x60  }
0x26: {  	[dreg:$0x2] =	wrdreg s25  }
0x27: {  	[dreg:$0x3] =	wrdreg s2  }
0x28: {  	[dreg:$0x4] =	wrdreg $0x9  }
0x29: {  	_ =	task.clear_ibuf [dreg:s7], $0x5FFFF;
	_ =	strace $0x90000049  }
0x2a: {  	s29 =	simm.s32 $0x9;
	_ =	strace $0x8000004B  }
0x2b: {  	_ =	swait.ge [sflag:s29], $0x1  }
0x2c: {  	[sflag:s29] =	ssyncadd.s32 $0xFFFFFFFF  }
0x2d: {  	_ =	strace $0x9000004B  }
0x2e: {  	_ =	sfence  }
0x2f: {  	s30 =	sld [smem:$0x0];
	_ =	sdelay $0x2  }
0x30: {  	s31 =	sshll.u32 s1, $0xD;
	s1 =	sshrl.u32 s1, $0x2  }
0x31: {  	s3 =	sand.u32 $0x4000, s31;
	s1 =	sadd.s32 s1, s30  }
0x32: {  	s0 =	sor.u32 s3, s0;
	s1 =	sshll.u32 s1, $0x11  }
0x33: {  	s0 =	sor.u32 s1, s0  }
0x34: {  	s0 =	sadd.s32 $0x8F2B, s0  }
0x35: {  	[sflag:s0] =	ssyncadd.remote.s32 $0x1  }
0x36: {  	_ =	sfence.sel $0xFFFF  }
0x37: {  	[dreg:$0x0] =	wrdreg $0xFFFFFFFF;
	(pc) =	sbr.abs _section_cstart, $3  }
0x38: {  	[dreg:$0x1] =	wrdreg $0xFFFFFFFF  }
0x39: {  	_ =	task.clear_ibuf [dreg:s7], $0x2FFFF;
	_ =	strace $0x9FFFFFFF  }
0x3a: {  	(tm) =	ssettm $0x7FFFFFFF  }
0x3b: {  	_ =	shalt  }
tec
execute0_lowered:
.L_overlay_start_1:
0x0: {  	(tag) =	ssettag $0x1  }
0x1: {  	s0 =	srdreg.scid  }
0x2: {  	s1 =	sshll.u32 s0, $0x4  }
0x3: {  	s4 =	rddreg [dreg:$0x0];
	s0 =	stileid.u32;
	s1 =	sand.u32 $0x10, s1  }
0x4: {  	s2 =	rddreg [dreg:$0x1];
	s7 =	simm.s32 $0x1;
	s1 =	sor.u32 s0, s1  }
0x5: {  	s8 =	simm.s32 $0x2;
	s11 =	simm.s32 $0x0;
	s3 =	sshll.u32 s1, $0x7  }
0x6: {  	s10 =	simm.s32 $0x0;
	s4 =	sadd.s32 $0x800, s4;
	s6 =	ssub.s32 $0xC8000, s3  }
.Ltmp0:
0x7: {  	s1 =	rddreg [dreg:$0x2];
	s5 =	sand.u32 $0xF80, s6;
	(pc) =	sbr.rel .LBB1_1-.Ltmp0, $4  }
0x8: {  	_ =	strace $0x8000004A;
	s9 =	smov.u32 s3;
	p0 =	sne.s32 s5, $0x0  }
0x9: {  	s6 =	sshrl.u32 s6, $0xC;
	s5 =	simm.s32 $0x1;
	s7 =	simm.s32 @!p0 $0x0  }
0xa: {  	[sflag:s5] =	ssyncpa.u1 $0x0;
	p0 =	por $0x0, $0x0;
	s6 =	sadd.s32 s7, s6  }
0xb: {  	[sflag:s8] =	ssyncpa.u1 $0x0;
	s8 =	simm.s32 $0x640000;
	s7 =	sadd.s32 $0x1, s6  }
.LBB1_4:
0xc: {  	s14 =	sshll.u32 s11, $0x3  }
0xd: {  	s30 =	sand.u32 $0x7F, s11;
	s15 =	sand.u32 $0xFFFFFC00, s14  }
0xe: {  	s11 =	sor.u32 s30, s15  }
0xf: {  	s15 =	smulhi.u32 $0x51EB851F, s11  }
0x10: {  	s14 =	smulhi.u32 $0x51EB851F, s14  }
0x11: {  	s15 =	sshrl.u32 s15, $0x12  }
0x12: {  	s14 =	sshrl.u32 s14, $0x12;
	s15 =	smul.u32 $0xC8000, s15  }
0x13: {  	s14 =	sand.u32 $0x3F, s14  }
0x14: {  	s14 =	smul.u32 $0x19000, s14;
	s11 =	ssub.s32 s11, s15  }
0x15: {  	[tilespmem:s13+$0x810 ss:$0x81] =	vst.msk $0xffff, v2;
	s15 =	sand.u32 $0x7, s11  }
0x16: {  	[tilespmem:s13+$0x1020 ss:$0x81] =	vst.msk $0xffff, v0;
	s14 =	sadd.s32 s2, s14;
	s11 =	sshrl.u32 s11, $0x3;
	s15 =	sshll.u32 s15, $0x12  }
0x17: {  	[tilespmem:s13+$0x0 ss:$0x81] =	vst.msk $0xffff, v1;
	s11 =	sadd.s32 s11, s14;
	s31 =	sor.u32 $0x400, s15  }
0x18: {  	[hbm4b:s11+s31] =	stream.strided.scatter [tilespmem:s12], [sflag:$0x2], $0x2000, s8, s31, $0x20;
	[tilespmem:$0x8080] =	vst v63  }
.LBB1_5:
0x19: {  	s13 =	sadd.s32 $0x1000, s9  }
0x1a: {  	p2 =	sgt.s32 s13, $0xC7FFF  }
0x1b: {  	s13 =	smov.u32 @p2 s3;
	p2 =	sne.s32 s10, s7  }
.Ltmp1:
0x1c: {  	p1 =	slt.u32 s10, $0x2;
	(pc) =	sbr.rel @!p2 .LBB1_6-.Ltmp1, $4  }
0x1d: {  	s12 =	simm.s32 @!p1 $0x2  }
0x1e: {  	s14 =	sadd.s32 $0x1, s10;
	_ =	swait.ge @!p1 [sflag:s12], $0x2000  }
0x1f: {  	s11 =	smov.u32 s9;
	p0 =	por !p0, !p0;
	[sflag:s12] =	ssyncset.done @!p1 $0x0  }
0x20: {  	s10 =	smov.u32 s14;
	s9 =	smov.u32 s13;
	[sflag:s12] =	ssyncadd.s32 @!p1 $0xFFFFE000  }
.LBB1_1:
0x21: {  	p1 =	sge.u32 s10, s6  }
0x22: {  	s12 =	sand.u32 @!p1 $0x1FFFFFF, s9  }
0x23: {  	s13 =	smulhi.u32 @!p1 $0x147AE15, s12;
	_ =	sdelay $0x1  }
0x24: {  	s13 =	sshrl.u32 @!p1 s13, $0xC  }
0x25: {  	s13 =	smul.u32 @!p1 $0xC8000, s13;
	_ =	sdelay $0x1  }
0x26: {  	s31 =	sadd.s32 $0xFFFFFFFF, s10;
	s14 =	sxor.u32 @!p1 $0xFFFFFFFF, s10;
	s12 =	ssub.s32 @!p1 s12, s13  }
0x27: {  	s15 =	simm.s32 @!p1 $0x80;
	s14 =	sshll.u32 @!p1 s14, $0xD;
	s12 =	sshll.u32 @!p1 s12, $0x4  }
0x28: {  	s13 =	sand.u32 @!p1 $0x2000, s14;
	s14 =	simm.s32 @!p1 $0x40;
	s12 =	sadd.s32 @!p1 s4, s12  }
0x29: {  	[tilespmem:s13], [sflag:$0x1] =	stream.strided.gather @!p1 [hbm4b:s12+s14], $0x2000, s15, s14, $0x38;
	[tilespmem:$0x8080] =	vst v63  }
0x2a: {  	p1 =	sge.u32 s31, s6  }
.Ltmp2:
0x2b: {  	_ = 	snop;
	(pc) =	sbr.rel @p1 .LBB1_5-.Ltmp2, $1  }
0x2c: {  	_ =	sdelay $0x3  }
0x2d: {  	s12 =	simm.s32 $0x1  }
0x2e: {  	_ =	swait.ge [sflag:s5], $0x2000;
	s12 =	simm.s32 @!p0 $0x0  }
0x2f: {  	[sflag:s5] =	ssyncset.done $0x0;
	s13 =	sshll.u32 s12, $0xD  }
0x30: {  	[sflag:s5] =	ssyncadd.s32 $0xFFFFE000;
	s16 =	sor.u32 $0x20, s13  }
0x31: {  	s12 =	smul.u32 $0x8100, s12;
	v3 =	vld [tilespmem:s16+$0x10]  }
0x32: {  	s30 =	sand.u32 $0x1, s10;
	v2 =	vld [tilespmem:s16+$0xFFFFFFF0]  }
0x33: {  	s13 =	smul.u32 $0x8100, s30;
	s12 =	sshrl.u32 s12, $0x2;
	v0 =	vld [tilespmem:s16+$0x0]  }
0x34: {  	v1 =	vld [tilespmem:s16+$0xFFFFFFE0];
	s14 =	sor.u32 $0x4000, s12  }
0x35: {  	s31 =	sshrl.u32 s13, $0x2;
	s13 =	sadd.s32 $0x0, s14  }
0x36: {  	s15 =	simm.s32 $0x4;
	s16 =	sadd.s32 $0x40, s16;
	s12 =	sor.u32 $0x4000, s31;
	[tilespmem:s13+$0x1830 ss:$0x81] =	vst.msk $0xffff, v3  }
.LBB1_3:
0x37: {  	v3 =	vld [tilespmem:s16+$0x10];
	p1 =	sne.s32 s15, $0x1FC;
	[tilespmem:s13+$0x810 ss:$0x81] =	vst.msk $0xffff, v2;
	s17 =	smov.u32 s15;
	s15 =	sadd.s32 $0x4, s15  }
.Ltmp3:
0x38: {  	v2 =	vld [tilespmem:s16+$0xFFFFFFF0];
	[tilespmem:s13+$0x1020 ss:$0x81] =	vst.msk $0xffff, v0;
	(pc) =	sbr.rel @p1 .LBB1_3-.Ltmp3, $4  }
0x39: {  	v0 =	vld [tilespmem:s16+$0x0];
	[tilespmem:s13+$0x0 ss:$0x81] =	vst.msk $0xffff, v1  }
0x3a: {  	s13 =	sshra.s32 s17, $0x2;
	v1 =	vld [tilespmem:s16+$0xFFFFFFE0]  }
0x3b: {  	s13 =	sadd.s32 s13, s14  }
0x3c: {  	s16 =	sadd.s32 $0x40, s16;
	[tilespmem:s13+$0x1830 ss:$0x81] =	vst.msk $0xffff, v3  }
.Ltmp4:
0x3d: {  	_ = 	snop;
	(pc) =	sbr.rel .LBB1_4-.Ltmp4, $1  }
0x3e: {  	_ =	sdelay $0x3  }
.LBB1_6:
0x3f: {  	_ =	sfence.sel $0x180000  }
0x40: {  	s2 =	simm.s32 $0x1;
	[bflag:$0x0] =	sbarrier.arrive $0xFFFF  }
0x41: {  	s31 =	simm.s32 $0x2;
	[sflag:s2] =	ssyncpa.u1 $0x1  }
0x42: {  	[sflag:s31] =	ssyncpa.u1 $0x1  }
0x43: {  	p0 =	sne.s32 s0, $0x0;
	_ =	strace $0x9000004A  }
0x44: {  	s0 =	sadd.s32 @!p0 $0x100000, s1;
	[bflag:$0x2] =	sbarrier.arrive $0xFFFF  }
0x45: {  	[sflag:s0] =	ssyncadd.tile.s32 @!p0 $0x1;
	_ =	shalt  }
.Lfunc_end1:
_tile_overlayer_lowered:
.L_overlay_start_2:
0x46: {  	(tag) =	ssettag $0x2  }
0x47: {  	s0 =	rddreg [dreg:$0x0];
	s2 =	stileid.u32  }
0x48: {  	s1 =	rddreg [dreg:$0x1];
	p0 =	sne.s32 s2, $0x0  }
0x49: {  	s3 =	rddreg [dreg:$0x2];
	[bflag:$0x3] =	sbarrier.arrive $0xFFFF;
	s2 =	simm.s32 @!p0 $0x1C01  }
0x4a: {  	[timem:s3], [sflag:s2] =	dma.local @!p0 [hbm:s0], s1  }
0x4b: {  	s0 =	simm.s32 @!p0 $0x1  }
0x4c: {  	_ =	swait.ge @!p0 [sflag:s0], s1  }
0x4d: {  	s1 =	ssub.s32 @!p0 $0x0, s1;
	[sflag:s0] =	ssyncset.done @!p0 $0x0  }
0x4e: {  	[sflag:s0] =	ssyncadd.s32 @!p0 s1  }
0x4f: {  	[bflag:$0x3] =	sbarrier.arrive $0xFFFF  }
0x50: {  	_ =	shalt  }

</sc_bundles>
